<compile_context>
chip_gen: v7x
topology: tpu7x:2x2x1
jax: 0.10.2.dev20260603
libtpu: 0.0.44.dev20260713+nightly
codegen_flags: <defaults>
</compile_context>

<pallas_src>
import jax
import jax.numpy as jnp
from jax import lax
from jax.experimental import pallas as pl
from jax.experimental.pallas import tpu as pltpu
from jax.experimental.pallas import tpu_sc as plsc

BATCH = 4
SEQ = 8192
DIM = 64
TOTAL = BATCH * SEQ

NUM_CORES = 2
NUM_SUBCORES = 16
NUM_WORKERS = NUM_CORES * NUM_SUBCORES
PER_WORKER = TOTAL // NUM_WORKERS
CHUNK = 128
NCHUNK = PER_WORKER // CHUNK


def _split_rows(gbuf, cbuf, sbuf):
    def row(r, carry):
        for c in range(DIM // 16):
            cbuf[r, pl.ds(c * 16, 16)] = gbuf[r, pl.ds(c * 16, 16)]
            sbuf[r, pl.ds(c * 16, 16)] = gbuf[r, pl.ds(DIM + c * 16, 16)]
        return carry
    lax.fori_loop(0, CHUNK, row, 0)


def _rope_kernel(pos_hbm, tab_hbm, cos_out, sin_out,
                 idx_v, g0, g1, c0, c1, s0, s1,
                 sem_g0, sem_g1, sem_c0, sem_c1, sem_s0, sem_s1):
    wid = lax.axis_index("s") * NUM_CORES + lax.axis_index("c")
    row0 = wid * NCHUNK
    base = wid * PER_WORKER

    gbuf = (g0, g1)
    cbuf = (c0, c1)
    sbuf = (s0, s1)
    sem_g = (sem_g0, sem_g1)
    sem_c = (sem_c0, sem_c1)
    sem_s = (sem_s0, sem_s1)

    pltpu.sync_copy(pos_hbm.at[pl.ds(row0, NCHUNK)], idx_v)

    gcp = [None] * NCHUNK
    wcp_c = [None, None]
    wcp_s = [None, None]
    gcp[0] = pltpu.async_copy(tab_hbm.at[idx_v.at[0]], gbuf[0], sem_g[0])
    for j in range(NCHUNK):
        s = j % 2
        if j + 1 < NCHUNK:
            gcp[j + 1] = pltpu.async_copy(
                tab_hbm.at[idx_v.at[j + 1]], gbuf[(j + 1) % 2], sem_g[(j + 1) % 2])
        gcp[j].wait()
        if j >= 2:
            wcp_c[s].wait()
            wcp_s[s].wait()
        _split_rows(gbuf[s], cbuf[s], sbuf[s])
        dst = pl.ds(base + j * CHUNK, CHUNK)
        wcp_c[s] = pltpu.async_copy(cbuf[s], cos_out.at[dst], sem_c[s])
        wcp_s[s] = pltpu.async_copy(sbuf[s], sin_out.at[dst], sem_s[s])
    for s in range(2):
        wcp_c[s].wait()
        wcp_s[s].wait()


@jax.jit
def _rope_gather(pos2d, table):
    mesh = plsc.VectorSubcoreMesh(core_axis_name="c", subcore_axis_name="s")
    out_t = jax.ShapeDtypeStruct((TOTAL, DIM), jnp.float32)
    scratch = [
        pltpu.VMEM((NCHUNK, CHUNK), jnp.int32),
        pltpu.VMEM((CHUNK, 2 * DIM), jnp.float32),
        pltpu.VMEM((CHUNK, 2 * DIM), jnp.float32),
        pltpu.VMEM((CHUNK, DIM), jnp.float32),
        pltpu.VMEM((CHUNK, DIM), jnp.float32),
        pltpu.VMEM((CHUNK, DIM), jnp.float32),
        pltpu.VMEM((CHUNK, DIM), jnp.float32),
        pltpu.SemaphoreType.DMA,
        pltpu.SemaphoreType.DMA,
        pltpu.SemaphoreType.DMA,
        pltpu.SemaphoreType.DMA,
        pltpu.SemaphoreType.DMA,
        pltpu.SemaphoreType.DMA,
    ]
    return pl.kernel(
        _rope_kernel,
        out_type=(out_t, out_t),
        mesh=mesh,
        scratch_types=scratch,
    )(pos2d, table)


def kernel(position_ids, cos_cache, sin_cache):
    pos2d = position_ids.astype(jnp.int32).reshape(TOTAL // CHUNK, CHUNK)
    table = jnp.concatenate([cos_cache, sin_cache], axis=1)
    cos, sin = _rope_gather(pos2d, table)
    shape = (*position_ids.shape, DIM)
    return cos.reshape(shape), sin.reshape(shape)

# --- scband reference (transcript-rebuilt; emitter-appended) ---
"""Pipeline reference for scband-default-rope-28930899706033 (READ-ONLY COPY).

The authoritative reference and input builder live on the scoring server;
editing this copy changes nothing except your own understanding.
"""

import jax, jax.numpy as jnp
import numpy as np

HEAD_DIM = 128
PARTIAL_ROTARY_FACTOR = 1.0
ROPE_THETA = 500000.0
MAX_POS = 32768
BATCH = 4
SEQ = 8192


def _build_caches():
    dim = int(HEAD_DIM * PARTIAL_ROTARY_FACTOR)
    inv_freq = 1.0 / (ROPE_THETA ** (jnp.arange(0, dim, 2, dtype=jnp.float32) / dim))
    pos = jnp.arange(0, MAX_POS, dtype=jnp.float32)
    angles = jnp.outer(pos, inv_freq)
    attention_scaling = 1.0
    cos_cache = jnp.cos(angles) * attention_scaling
    sin_cache = jnp.sin(angles) * attention_scaling
    return cos_cache, sin_cache


def setup_inputs(seed: int = 0) -> dict:
    key = jax.random.key(seed)
    position_ids = jax.random.randint(key, (BATCH, SEQ), 0, MAX_POS, dtype=jnp.int64 if jax.config.jax_enable_x64 else jnp.int32)
    cos_cache, sin_cache = _build_caches()
    return {"position_ids": position_ids, "cos_cache": cos_cache, "sin_cache": sin_cache}


def reference(position_ids, cos_cache, sin_cache):
    # get_rotary_pos_emb: gather rows of the cos/sin caches at position_ids
    cos = jnp.take(cos_cache, position_ids, axis=0)
    sin = jnp.take(sin_cache, position_ids, axis=0)
    return cos, sin

if __name__ == "__main__":
    import jax
    _d = setup_inputs()
    print(jax.jit(kernel)(*tuple(_d.values())))

</pallas_src>

<mosaic_0001>
#map = affine_map<(d0, d1) -> (0, 0)>
module attributes {stable_mosaic.version = 14 : i64} {
  func.func @_rope_kernel(%arg0: i32, %arg1: i32, %arg2: memref<256x128xi32, #tpu.memory_space<hbm>>, %arg3: memref<32768x128xf32, #tpu.memory_space<hbm>>, %arg4: memref<32768x64xf32, #tpu.memory_space<hbm>>, %arg5: memref<32768x64xf32, #tpu.memory_space<hbm>>, %arg6: memref<8x128xi32, #tpu.memory_space<vmem>>, %arg7: memref<128x128xf32, #tpu.memory_space<vmem>>, %arg8: memref<128x128xf32, #tpu.memory_space<vmem>>, %arg9: memref<128x64xf32, #tpu.memory_space<vmem>>, %arg10: memref<128x64xf32, #tpu.memory_space<vmem>>, %arg11: memref<128x64xf32, #tpu.memory_space<vmem>>, %arg12: memref<128x64xf32, #tpu.memory_space<vmem>>, %arg13: memref<!tpu.dma_semaphore, #tpu.memory_space<semaphore_mem>>, %arg14: memref<!tpu.dma_semaphore, #tpu.memory_space<semaphore_mem>>, %arg15: memref<!tpu.dma_semaphore, #tpu.memory_space<semaphore_mem>>, %arg16: memref<!tpu.dma_semaphore, #tpu.memory_space<semaphore_mem>>, %arg17: memref<!tpu.dma_semaphore, #tpu.memory_space<semaphore_mem>>, %arg18: memref<!tpu.dma_semaphore, #tpu.memory_space<semaphore_mem>>) attributes {dimension_semantics = [#tpu.dimension_semantics<core_parallel>, #tpu.dimension_semantics<subcore_parallel>], iteration_bounds = array<i64: 2, 16>, scalar_prefetch = 0 : i64, scratch_operands = 13 : i64, tpu.core_type = #tpu.core_type<sc_vector_subcore>, window_params = [{transform_indices = #map}, {transform_indices = #map}, {transform_indices = #map}, {transform_indices = #map}]} {
    %mul3A = arith.constant 2 : i32
    %mul3A_0 = arith.muli %arg1, %mul3A : i32
    %add3A = arith.addi %mul3A_0, %arg0 : i32
    %mul3A_1 = arith.constant 8 : i32
    %mul3A_2 = arith.muli %add3A, %mul3A_1 : i32
    %mul3A_3 = arith.constant 1024 : i32
    %mul3A_4 = arith.muli %add3A, %mul3A_3 : i32
    "tpu.region"() ({
      %run_scoped3A = tpu.sem_alloc : memref<!tpu.dma_semaphore, #tpu.memory_space<semaphore_mem>>
      %dma_start3A_306 = arith.constant 0 : i32
      %dma_start3A_307 = tpu.memref_slice %arg2[%mul3A_2, %dma_start3A_306] : memref<256x128xi32, #tpu.memory_space<hbm>> -> memref<8x128xi32, #tpu.memory_space<hbm>>
      %dma_start3A_308 = arith.constant 0 : i32
      %dma_start3A_309 = tpu.memref_slice %arg2[%mul3A_2, %dma_start3A_308] : memref<256x128xi32, #tpu.memory_space<hbm>> -> memref<8x128xi32, #tpu.memory_space<hbm>>
      tpu.enqueue_dma source(%dma_start3A_309 : memref<8x128xi32, #tpu.memory_space<hbm>>) target(%arg6 : memref<8x128xi32, #tpu.memory_space<vmem>>) target_semaphore(%run_scoped3A : memref<!tpu.dma_semaphore, #tpu.memory_space<semaphore_mem>>)
      %dma_wait3A_310 = arith.constant 0 : i32
      %dma_wait3A_311 = tpu.memref_slice %arg2[%mul3A_2, %dma_wait3A_310] : memref<256x128xi32, #tpu.memory_space<hbm>> -> memref<8x128xi32, #tpu.memory_space<hbm>>
      %dma_wait3A_312 = arith.constant 0 : i32
      %dma_wait3A_313 = tpu.memref_slice %arg2[%mul3A_2, %dma_wait3A_312] : memref<256x128xi32, #tpu.memory_space<hbm>> -> memref<8x128xi32, #tpu.memory_space<hbm>>
      tpu.wait_dma2 semaphore(%run_scoped3A : memref<!tpu.dma_semaphore, #tpu.memory_space<semaphore_mem>>) src(%dma_wait3A_313 : memref<8x128xi32, #tpu.memory_space<hbm>>) dst(%arg6 : memref<8x128xi32, #tpu.memory_space<vmem>>)
      tpu.yield
    }) : () -> ()
    %dma_start3A = arith.constant 0 : i32
    %dma_start3A_5 = arith.constant 0 : i32
    %dma_start3A_6 = tpu.memref_slice %arg6[%dma_start3A, %dma_start3A_5] : memref<8x128xi32, #tpu.memory_space<vmem>> -> memref<1x128xi32, #tpu.memory_space<vmem>>
    %dma_start3A_7 = tpu.memref_squeeze %dma_start3A_6 : memref<1x128xi32, #tpu.memory_space<vmem>> -> memref<128xi32, #tpu.memory_space<vmem>>
    %dma_start3A_8 = arith.constant 0 : i32
    %dma_start3A_9 = arith.constant 0 : i32
    %dma_start3A_10 = tpu.memref_slice %arg3[%dma_start3A_8, %dma_start3A_9] : memref<32768x128xf32, #tpu.memory_space<hbm>> -> memref<32768x128xf32, #tpu.memory_space<hbm>>
    tpu.enqueue_indirect_dma source(%dma_start3A_10 : memref<32768x128xf32, #tpu.memory_space<hbm>>) target(%arg7 : memref<128x128xf32, #tpu.memory_space<vmem>>) offsets(%dma_start3A_7 : memref<128xi32, #tpu.memory_space<vmem>>) semaphore(%arg13 : memref<!tpu.dma_semaphore, #tpu.memory_space<semaphore_mem>>)
    %dma_start3A_11 = arith.constant 1 : i32
    %dma_start3A_12 = arith.constant 0 : i32
    %dma_start3A_13 = tpu.memref_slice %arg6[%dma_start3A_11, %dma_start3A_12] : memref<8x128xi32, #tpu.memory_space<vmem>> -> memref<1x128xi32, #tpu.memory_space<vmem>>
    %dma_start3A_14 = tpu.memref_squeeze %dma_start3A_13 : memref<1x128xi32, #tpu.memory_space<vmem>> -> memref<128xi32, #tpu.memory_space<vmem>>
    %dma_start3A_15 = arith.constant 0 : i32
    %dma_start3A_16 = arith.constant 0 : i32
    %dma_start3A_17 = tpu.memref_slice %arg3[%dma_start3A_15, %dma_start3A_16] : memref<32768x128xf32, #tpu.memory_space<hbm>> -> memref<32768x128xf32, #tpu.memory_space<hbm>>
    tpu.enqueue_indirect_dma source(%dma_start3A_17 : memref<32768x128xf32, #tpu.memory_space<hbm>>) target(%arg8 : memref<128x128xf32, #tpu.memory_space<vmem>>) offsets(%dma_start3A_14 : memref<128xi32, #tpu.memory_space<vmem>>) semaphore(%arg14 : memref<!tpu.dma_semaphore, #tpu.memory_space<semaphore_mem>>)
    %dma_wait3A = arith.constant 0 : i32
    %dma_wait3A_18 = arith.constant 0 : i32
    %dma_wait3A_19 = tpu.memref_slice %arg6[%dma_wait3A, %dma_wait3A_18] : memref<8x128xi32, #tpu.memory_space<vmem>> -> memref<1x128xi32, #tpu.memory_space<vmem>>
    %dma_wait3A_20 = tpu.memref_squeeze %dma_wait3A_19 : memref<1x128xi32, #tpu.memory_space<vmem>> -> memref<128xi32, #tpu.memory_space<vmem>>
    %dma_wait3A_21 = arith.constant 0 : i32
    %dma_wait3A_22 = arith.constant 0 : i32
    %dma_wait3A_23 = tpu.memref_slice %arg3[%dma_wait3A_21, %dma_wait3A_22] : memref<32768x128xf32, #tpu.memory_space<hbm>> -> memref<32768x128xf32, #tpu.memory_space<hbm>>
    tpu.wait_indirect_dma semaphore(%arg13 : memref<!tpu.dma_semaphore, #tpu.memory_space<semaphore_mem>>) src(%dma_wait3A_23 : memref<32768x128xf32, #tpu.memory_space<hbm>>) dst(%arg7 : memref<128x128xf32, #tpu.memory_space<vmem>>)
    %scan3A = arith.constant 0 : i32
    %scan3A_24 = arith.constant 0 : i32
    %scan3A_25 = arith.constant 128 : i32
    %scan3A_26 = arith.addi %scan3A_24, %scan3A_25 : i32
    %scan3A_27 = arith.constant 1 : i32
    scf.for %scan3A_306 = %scan3A_24 to %scan3A_26 step %scan3A_27  : i32 {
      %get3A = arith.index_cast %scan3A_306 : i32 to index
      %get3A_307 = arith.constant 0 : index
      %get3A_308 = tpu.vector_load %arg7[%get3A, %get3A_307] {strides = array<i32>} : memref<128x128xf32, #tpu.memory_space<vmem>>, vector<1x16xf32>,
      %get3A_309 = vector.shape_cast %get3A_308 : vector<1x16xf32> to vector<16xf32>
      %swap3A = arith.index_cast %scan3A_306 : i32 to index
      %swap3A_310 = arith.constant 0 : index
      %swap3A_311 = tpu.vector_load %arg9[%swap3A, %swap3A_310] {strides = array<i32>} : memref<128x64xf32, #tpu.memory_space<vmem>>, vector<1x16xf32>,
      %swap3A_312 = vector.shape_cast %swap3A_311 : vector<1x16xf32> to vector<16xf32>
      %swap3A_313 = vector.shape_cast %get3A_309 : vector<16xf32> to vector<1x16xf32>
      tpu.vector_store %arg9[%swap3A, %swap3A_310], %swap3A_313 {strides = array<i32>} : memref<128x64xf32, #tpu.memory_space<vmem>>, vector<1x16xf32>,
      %get3A_314 = arith.index_cast %scan3A_306 : i32 to index
      %get3A_315 = arith.constant 64 : index
      %get3A_316 = tpu.vector_load %arg7[%get3A_314, %get3A_315] {strides = array<i32>} : memref<128x128xf32, #tpu.memory_space<vmem>>, vector<1x16xf32>,
      %get3A_317 = vector.shape_cast %get3A_316 : vector<1x16xf32> to vector<16xf32>
      %swap3A_318 = arith.index_cast %scan3A_306 : i32 to index
      %swap3A_319 = arith.constant 0 : index
      %swap3A_320 = tpu.vector_load %arg11[%swap3A_318, %swap3A_319] {strides = array<i32>} : memref<128x64xf32, #tpu.memory_space<vmem>>, vector<1x16xf32>,
      %swap3A_321 = vector.shape_cast %swap3A_320 : vector<1x16xf32> to vector<16xf32>
      %swap3A_322 = vector.shape_cast %get3A_317 : vector<16xf32> to vector<1x16xf32>
      tpu.vector_store %arg11[%swap3A_318, %swap3A_319], %swap3A_322 {strides = array<i32>} : memref<128x64xf32, #tpu.memory_space<vmem>>, vector<1x16xf32>,
      %get3A_323 = arith.index_cast %scan3A_306 : i32 to index
      %get3A_324 = arith.constant 16 : index
      %get3A_325 = tpu.vector_load %arg7[%get3A_323, %get3A_324] {strides = array<i32>} : memref<128x128xf32, #tpu.memory_space<vmem>>, vector<1x16xf32>,
      %get3A_326 = vector.shape_cast %get3A_325 : vector<1x16xf32> to vector<16xf32>
      %swap3A_327 = arith.index_cast %scan3A_306 : i32 to index
      %swap3A_328 = arith.constant 16 : index
      %swap3A_329 = tpu.vector_load %arg9[%swap3A_327, %swap3A_328] {strides = array<i32>} : memref<128x64xf32, #tpu.memory_space<vmem>>, vector<1x16xf32>,
      %swap3A_330 = vector.shape_cast %swap3A_329 : vector<1x16xf32> to vector<16xf32>
      %swap3A_331 = vector.shape_cast %get3A_326 : vector<16xf32> to vector<1x16xf32>
      tpu.vector_store %arg9[%swap3A_327, %swap3A_328], %swap3A_331 {strides = array<i32>} : memref<128x64xf32, #tpu.memory_space<vmem>>, vector<1x16xf32>,
      %get3A_332 = arith.index_cast %scan3A_306 : i32 to index
      %get3A_333 = arith.constant 80 : index
      %get3A_334 = tpu.vector_load %arg7[%get3A_332, %get3A_333] {strides = array<i32>} : memref<128x128xf32, #tpu.memory_space<vmem>>, vector<1x16xf32>,
      %get3A_335 = vector.shape_cast %get3A_334 : vector<1x16xf32> to vector<16xf32>
      %swap3A_336 = arith.index_cast %scan3A_306 : i32 to index
      %swap3A_337 = arith.constant 16 : index
      %swap3A_338 = tpu.vector_load %arg11[%swap3A_336, %swap3A_337] {strides = array<i32>} : memref<128x64xf32, #tpu.memory_space<vmem>>, vector<1x16xf32>,
      %swap3A_339 = vector.shape_cast %swap3A_338 : vector<1x16xf32> to vector<16xf32>
      %swap3A_340 = vector.shape_cast %get3A_335 : vector<16xf32> to vector<1x16xf32>
      tpu.vector_store %arg11[%swap3A_336, %swap3A_337], %swap3A_340 {strides = array<i32>} : memref<128x64xf32, #tpu.memory_space<vmem>>, vector<1x16xf32>,
      %get3A_341 = arith.index_cast %scan3A_306 : i32 to index
      %get3A_342 = arith.constant 32 : index
      %get3A_343 = tpu.vector_load %arg7[%get3A_341, %get3A_342] {strides = array<i32>} : memref<128x128xf32, #tpu.memory_space<vmem>>, vector<1x16xf32>,
      %get3A_344 = vector.shape_cast %get3A_343 : vector<1x16xf32> to vector<16xf32>
      %swap3A_345 = arith.index_cast %scan3A_306 : i32 to index
      %swap3A_346 = arith.constant 32 : index
      %swap3A_347 = tpu.vector_load %arg9[%swap3A_345, %swap3A_346] {strides = array<i32>} : memref<128x64xf32, #tpu.memory_space<vmem>>, vector<1x16xf32>,
      %swap3A_348 = vector.shape_cast %swap3A_347 : vector<1x16xf32> to vector<16xf32>
      %swap3A_349 = vector.shape_cast %get3A_344 : vector<16xf32> to vector<1x16xf32>
      tpu.vector_store %arg9[%swap3A_345, %swap3A_346], %swap3A_349 {strides = array<i32>} : memref<128x64xf32, #tpu.memory_space<vmem>>, vector<1x16xf32>,
      %get3A_350 = arith.index_cast %scan3A_306 : i32 to index
      %get3A_351 = arith.constant 96 : index
      %get3A_352 = tpu.vector_load %arg7[%get3A_350, %get3A_351] {strides = array<i32>} : memref<128x128xf32, #tpu.memory_space<vmem>>, vector<1x16xf32>,
      %get3A_353 = vector.shape_cast %get3A_352 : vector<1x16xf32> to vector<16xf32>
      %swap3A_354 = arith.index_cast %scan3A_306 : i32 to index
      %swap3A_355 = arith.constant 32 : index
      %swap3A_356 = tpu.vector_load %arg11[%swap3A_354, %swap3A_355] {strides = array<i32>} : memref<128x64xf32, #tpu.memory_space<vmem>>, vector<1x16xf32>,
      %swap3A_357 = vector.shape_cast %swap3A_356 : vector<1x16xf32> to vector<16xf32>
      %swap3A_358 = vector.shape_cast %get3A_353 : vector<16xf32> to vector<1x16xf32>
      tpu.vector_store %arg11[%swap3A_354, %swap3A_355], %swap3A_358 {strides = array<i32>} : memref<128x64xf32, #tpu.memory_space<vmem>>, vector<1x16xf32>,
      %get3A_359 = arith.index_cast %scan3A_306 : i32 to index
      %get3A_360 = arith.constant 48 : index
      %get3A_361 = tpu.vector_load %arg7[%get3A_359, %get3A_360] {strides = array<i32>} : memref<128x128xf32, #tpu.memory_space<vmem>>, vector<1x16xf32>,
      %get3A_362 = vector.shape_cast %get3A_361 : vector<1x16xf32> to vector<16xf32>
      %swap3A_363 = arith.index_cast %scan3A_306 : i32 to index
      %swap3A_364 = arith.constant 48 : index
      %swap3A_365 = tpu.vector_load %arg9[%swap3A_363, %swap3A_364] {strides = array<i32>} : memref<128x64xf32, #tpu.memory_space<vmem>>, vector<1x16xf32>,
      %swap3A_366 = vector.shape_cast %swap3A_365 : vector<1x16xf32> to vector<16xf32>
      %swap3A_367 = vector.shape_cast %get3A_362 : vector<16xf32> to vector<1x16xf32>
      tpu.vector_store %arg9[%swap3A_363, %swap3A_364], %swap3A_367 {strides = array<i32>} : memref<128x64xf32, #tpu.memory_space<vmem>>, vector<1x16xf32>,
      %get3A_368 = arith.index_cast %scan3A_306 : i32 to index
      %get3A_369 = arith.constant 112 : index
      %get3A_370 = tpu.vector_load %arg7[%get3A_368, %get3A_369] {strides = array<i32>} : memref<128x128xf32, #tpu.memory_space<vmem>>, vector<1x16xf32>,
      %get3A_371 = vector.shape_cast %get3A_370 : vector<1x16xf32> to vector<16xf32>
      %swap3A_372 = arith.index_cast %scan3A_306 : i32 to index
      %swap3A_373 = arith.constant 48 : index
      %swap3A_374 = tpu.vector_load %arg11[%swap3A_372, %swap3A_373] {strides = array<i32>} : memref<128x64xf32, #tpu.memory_space<vmem>>, vector<1x16xf32>,
      %swap3A_375 = vector.shape_cast %swap3A_374 : vector<1x16xf32> to vector<16xf32>
      %swap3A_376 = vector.shape_cast %get3A_371 : vector<16xf32> to vector<1x16xf32>
      tpu.vector_store %arg11[%swap3A_372, %swap3A_373], %swap3A_376 {strides = array<i32>} : memref<128x64xf32, #tpu.memory_space<vmem>>, vector<1x16xf32>,
    }
    %scan3A_28 = arith.constant 128 : i32
    %add3A_29 = arith.constant 0 : i32
    %add3A_30 = arith.addi %mul3A_4, %add3A_29 : i32
    %dma_start3A_31 = arith.constant 0 : i32
    %dma_start3A_32 = tpu.memref_slice %arg4[%add3A_30, %dma_start3A_31] : memref<32768x64xf32, #tpu.memory_space<hbm>> -> memref<128x64xf32, #tpu.memory_space<hbm>>
    %dma_start3A_33 = arith.constant 0 : i32
    %dma_start3A_34 = tpu.memref_slice %arg4[%add3A_30, %dma_start3A_33] : memref<32768x64xf32, #tpu.memory_space<hbm>> -> memref<128x64xf32, #tpu.memory_space<hbm>>
    tpu.enqueue_dma source(%arg9 : memref<128x64xf32, #tpu.memory_space<vmem>>) target(%dma_start3A_34 : memref<128x64xf32, #tpu.memory_space<hbm>>) target_semaphore(%arg15 : memref<!tpu.dma_semaphore, #tpu.memory_space<semaphore_mem>>)
    %dma_start3A_35 = arith.constant 0 : i32
    %dma_start3A_36 = tpu.memref_slice %arg5[%add3A_30, %dma_start3A_35] : memref<32768x64xf32, #tpu.memory_space<hbm>> -> memref<128x64xf32, #tpu.memory_space<hbm>>
    %dma_start3A_37 = arith.constant 0 : i32
    %dma_start3A_38 = tpu.memref_slice %arg5[%add3A_30, %dma_start3A_37] : memref<32768x64xf32, #tpu.memory_space<hbm>> -> memref<128x64xf32, #tpu.memory_space<hbm>>
    tpu.enqueue_dma source(%arg11 : memref<128x64xf32, #tpu.memory_space<vmem>>) target(%dma_start3A_38 : memref<128x64xf32, #tpu.memory_space<hbm>>) target_semaphore(%arg17 : memref<!tpu.dma_semaphore, #tpu.memory_space<semaphore_mem>>)
    %dma_start3A_39 = arith.constant 2 : i32
    %dma_start3A_40 = arith.constant 0 : i32
    %dma_start3A_41 = tpu.memref_slice %arg6[%dma_start3A_39, %dma_start3A_40] : memref<8x128xi32, #tpu.memory_space<vmem>> -> memref<1x128xi32, #tpu.memory_space<vmem>>
    %dma_start3A_42 = tpu.memref_squeeze %dma_start3A_41 : memref<1x128xi32, #tpu.memory_space<vmem>> -> memref<128xi32, #tpu.memory_space<vmem>>
    %dma_start3A_43 = arith.constant 0 : i32
    %dma_start3A_44 = arith.constant 0 : i32
    %dma_start3A_45 = tpu.memref_slice %arg3[%dma_start3A_43, %dma_start3A_44] : memref<32768x128xf32, #tpu.memory_space<hbm>> -> memref<32768x128xf32, #tpu.memory_space<hbm>>
    tpu.enqueue_indirect_dma source(%dma_start3A_45 : memref<32768x128xf32, #tpu.memory_space<hbm>>) target(%arg7 : memref<128x128xf32, #tpu.memory_space<vmem>>) offsets(%dma_start3A_42 : memref<128xi32, #tpu.memory_space<vmem>>) semaphore(%arg13 : memref<!tpu.dma_semaphore, #tpu.memory_space<semaphore_mem>>)
    %dma_wait3A_46 = arith.constant 1 : i32
    %dma_wait3A_47 = arith.constant 0 : i32
    %dma_wait3A_48 = tpu.memref_slice %arg6[%dma_wait3A_46, %dma_wait3A_47] : memref<8x128xi32, #tpu.memory_space<vmem>> -> memref<1x128xi32, #tpu.memory_space<vmem>>
    %dma_wait3A_49 = tpu.memref_squeeze %dma_wait3A_48 : memref<1x128xi32, #tpu.memory_space<vmem>> -> memref<128xi32, #tpu.memory_space<vmem>>
    %dma_wait3A_50 = arith.constant 0 : i32
    %dma_wait3A_51 = arith.constant 0 : i32
    %dma_wait3A_52 = tpu.memref_slice %arg3[%dma_wait3A_50, %dma_wait3A_51] : memref<32768x128xf32, #tpu.memory_space<hbm>> -> memref<32768x128xf32, #tpu.memory_space<hbm>>
    tpu.wait_indirect_dma semaphore(%arg14 : memref<!tpu.dma_semaphore, #tpu.memory_space<semaphore_mem>>) src(%dma_wait3A_52 : memref<32768x128xf32, #tpu.memory_space<hbm>>) dst(%arg8 : memref<128x128xf32, #tpu.memory_space<vmem>>)
    %scan3A_53 = arith.constant 0 : i32
    %scan3A_54 = arith.constant 0 : i32
    %scan3A_55 = arith.constant 128 : i32
    %scan3A_56 = arith.addi %scan3A_54, %scan3A_55 : i32
    %scan3A_57 = arith.constant 1 : i32
    scf.for %scan3A_306 = %scan3A_54 to %scan3A_56 step %scan3A_57  : i32 {
      %get3A = arith.index_cast %scan3A_306 : i32 to index
      %get3A_307 = arith.constant 0 : index
      %get3A_308 = tpu.vector_load %arg8[%get3A, %get3A_307] {strides = array<i32>} : memref<128x128xf32, #tpu.memory_space<vmem>>, vector<1x16xf32>,
      %get3A_309 = vector.shape_cast %get3A_308 : vector<1x16xf32> to vector<16xf32>
      %swap3A = arith.index_cast %scan3A_306 : i32 to index
      %swap3A_310 = arith.constant 0 : index
      %swap3A_311 = tpu.vector_load %arg10[%swap3A, %swap3A_310] {strides = array<i32>} : memref<128x64xf32, #tpu.memory_space<vmem>>, vector<1x16xf32>,
      %swap3A_312 = vector.shape_cast %swap3A_311 : vector<1x16xf32> to vector<16xf32>
      %swap3A_313 = vector.shape_cast %get3A_309 : vector<16xf32> to vector<1x16xf32>
      tpu.vector_store %arg10[%swap3A, %swap3A_310], %swap3A_313 {strides = array<i32>} : memref<128x64xf32, #tpu.memory_space<vmem>>, vector<1x16xf32>,
      %get3A_314 = arith.index_cast %scan3A_306 : i32 to index
      %get3A_315 = arith.constant 64 : index
      %get3A_316 = tpu.vector_load %arg8[%get3A_314, %get3A_315] {strides = array<i32>} : memref<128x128xf32, #tpu.memory_space<vmem>>, vector<1x16xf32>,
      %get3A_317 = vector.shape_cast %get3A_316 : vector<1x16xf32> to vector<16xf32>
      %swap3A_318 = arith.index_cast %scan3A_306 : i32 to index
      %swap3A_319 = arith.constant 0 : index
      %swap3A_320 = tpu.vector_load %arg12[%swap3A_318, %swap3A_319] {strides = array<i32>} : memref<128x64xf32, #tpu.memory_space<vmem>>, vector<1x16xf32>,
      %swap3A_321 = vector.shape_cast %swap3A_320 : vector<1x16xf32> to vector<16xf32>
      %swap3A_322 = vector.shape_cast %get3A_317 : vector<16xf32> to vector<1x16xf32>
      tpu.vector_store %arg12[%swap3A_318, %swap3A_319], %swap3A_322 {strides = array<i32>} : memref<128x64xf32, #tpu.memory_space<vmem>>, vector<1x16xf32>,
      %get3A_323 = arith.index_cast %scan3A_306 : i32 to index
      %get3A_324 = arith.constant 16 : index
      %get3A_325 = tpu.vector_load %arg8[%get3A_323, %get3A_324] {strides = array<i32>} : memref<128x128xf32, #tpu.memory_space<vmem>>, vector<1x16xf32>,
      %get3A_326 = vector.shape_cast %get3A_325 : vector<1x16xf32> to vector<16xf32>
      %swap3A_327 = arith.index_cast %scan3A_306 : i32 to index
      %swap3A_328 = arith.constant 16 : index
      %swap3A_329 = tpu.vector_load %arg10[%swap3A_327, %swap3A_328] {strides = array<i32>} : memref<128x64xf32, #tpu.memory_space<vmem>>, vector<1x16xf32>,
      %swap3A_330 = vector.shape_cast %swap3A_329 : vector<1x16xf32> to vector<16xf32>
      %swap3A_331 = vector.shape_cast %get3A_326 : vector<16xf32> to vector<1x16xf32>
      tpu.vector_store %arg10[%swap3A_327, %swap3A_328], %swap3A_331 {strides = array<i32>} : memref<128x64xf32, #tpu.memory_space<vmem>>, vector<1x16xf32>,
      %get3A_332 = arith.index_cast %scan3A_306 : i32 to index
      %get3A_333 = arith.constant 80 : index
      %get3A_334 = tpu.vector_load %arg8[%get3A_332, %get3A_333] {strides = array<i32>} : memref<128x128xf32, #tpu.memory_space<vmem>>, vector<1x16xf32>,
      %get3A_335 = vector.shape_cast %get3A_334 : vector<1x16xf32> to vector<16xf32>
      %swap3A_336 = arith.index_cast %scan3A_306 : i32 to index
      %swap3A_337 = arith.constant 16 : index
      %swap3A_338 = tpu.vector_load %arg12[%swap3A_336, %swap3A_337] {strides = array<i32>} : memref<128x64xf32, #tpu.memory_space<vmem>>, vector<1x16xf32>,
      %swap3A_339 = vector.shape_cast %swap3A_338 : vector<1x16xf32> to vector<16xf32>
      %swap3A_340 = vector.shape_cast %get3A_335 : vector<16xf32> to vector<1x16xf32>
      tpu.vector_store %arg12[%swap3A_336, %swap3A_337], %swap3A_340 {strides = array<i32>} : memref<128x64xf32, #tpu.memory_space<vmem>>, vector<1x16xf32>,
      %get3A_341 = arith.index_cast %scan3A_306 : i32 to index
      %get3A_342 = arith.constant 32 : index
      %get3A_343 = tpu.vector_load %arg8[%get3A_341, %get3A_342] {strides = array<i32>} : memref<128x128xf32, #tpu.memory_space<vmem>>, vector<1x16xf32>,
      %get3A_344 = vector.shape_cast %get3A_343 : vector<1x16xf32> to vector<16xf32>
      %swap3A_345 = arith.index_cast %scan3A_306 : i32 to index
      %swap3A_346 = arith.constant 32 : index
      %swap3A_347 = tpu.vector_load %arg10[%swap3A_345, %swap3A_346] {strides = array<i32>} : memref<128x64xf32, #tpu.memory_space<vmem>>, vector<1x16xf32>,
      %swap3A_348 = vector.shape_cast %swap3A_347 : vector<1x16xf32> to vector<16xf32>
      %swap3A_349 = vector.shape_cast %get3A_344 : vector<16xf32> to vector<1x16xf32>
      tpu.vector_store %arg10[%swap3A_345, %swap3A_346], %swap3A_349 {strides = array<i32>} : memref<128x64xf32, #tpu.memory_space<vmem>>, vector<1x16xf32>,
      %get3A_350 = arith.index_cast %scan3A_306 : i32 to index
      %get3A_351 = arith.constant 96 : index
      %get3A_352 = tpu.vector_load %arg8[%get3A_350, %get3A_351] {strides = array<i32>} : memref<128x128xf32, #tpu.memory_space<vmem>>, vector<1x16xf32>,
      %get3A_353 = vector.shape_cast %get3A_352 : vector<1x16xf32> to vector<16xf32>
      %swap3A_354 = arith.index_cast %scan3A_306 : i32 to index
      %swap3A_355 = arith.constant 32 : index
      %swap3A_356 = tpu.vector_load %arg12[%swap3A_354, %swap3A_355] {strides = array<i32>} : memref<128x64xf32, #tpu.memory_space<vmem>>, vector<1x16xf32>,
      %swap3A_357 = vector.shape_cast %swap3A_356 : vector<1x16xf32> to vector<16xf32>
      %swap3A_358 = vector.shape_cast %get3A_353 : vector<16xf32> to vector<1x16xf32>
      tpu.vector_store %arg12[%swap3A_354, %swap3A_355], %swap3A_358 {strides = array<i32>} : memref<128x64xf32, #tpu.memory_space<vmem>>, vector<1x16xf32>,
      %get3A_359 = arith.index_cast %scan3A_306 : i32 to index
      %get3A_360 = arith.constant 48 : index
      %get3A_361 = tpu.vector_load %arg8[%get3A_359, %get3A_360] {strides = array<i32>} : memref<128x128xf32, #tpu.memory_space<vmem>>, vector<1x16xf32>,
      %get3A_362 = vector.shape_cast %get3A_361 : vector<1x16xf32> to vector<16xf32>
      %swap3A_363 = arith.index_cast %scan3A_306 : i32 to index
      %swap3A_364 = arith.constant 48 : index
      %swap3A_365 = tpu.vector_load %arg10[%swap3A_363, %swap3A_364] {strides = array<i32>} : memref<128x64xf32, #tpu.memory_space<vmem>>, vector<1x16xf32>,
      %swap3A_366 = vector.shape_cast %swap3A_365 : vector<1x16xf32> to vector<16xf32>
      %swap3A_367 = vector.shape_cast %get3A_362 : vector<16xf32> to vector<1x16xf32>
      tpu.vector_store %arg10[%swap3A_363, %swap3A_364], %swap3A_367 {strides = array<i32>} : memref<128x64xf32, #tpu.memory_space<vmem>>, vector<1x16xf32>,
      %get3A_368 = arith.index_cast %scan3A_306 : i32 to index
      %get3A_369 = arith.constant 112 : index
      %get3A_370 = tpu.vector_load %arg8[%get3A_368, %get3A_369] {strides = array<i32>} : memref<128x128xf32, #tpu.memory_space<vmem>>, vector<1x16xf32>,
      %get3A_371 = vector.shape_cast %get3A_370 : vector<1x16xf32> to vector<16xf32>
      %swap3A_372 = arith.index_cast %scan3A_306 : i32 to index
      %swap3A_373 = arith.constant 48 : index
      %swap3A_374 = tpu.vector_load %arg12[%swap3A_372, %swap3A_373] {strides = array<i32>} : memref<128x64xf32, #tpu.memory_space<vmem>>, vector<1x16xf32>,
      %swap3A_375 = vector.shape_cast %swap3A_374 : vector<1x16xf32> to vector<16xf32>
      %swap3A_376 = vector.shape_cast %get3A_371 : vector<16xf32> to vector<1x16xf32>
      tpu.vector_store %arg12[%swap3A_372, %swap3A_373], %swap3A_376 {strides = array<i32>} : memref<128x64xf32, #tpu.memory_space<vmem>>, vector<1x16xf32>,
    }
    %scan3A_58 = arith.constant 128 : i32
    %add3A_59 = arith.constant 128 : i32
    %add3A_60 = arith.addi %mul3A_4, %add3A_59 : i32
    %dma_start3A_61 = arith.constant 0 : i32
    %dma_start3A_62 = tpu.memref_slice %arg4[%add3A_60, %dma_start3A_61] : memref<32768x64xf32, #tpu.memory_space<hbm>> -> memref<128x64xf32, #tpu.memory_space<hbm>>
    %dma_start3A_63 = arith.constant 0 : i32
    %dma_start3A_64 = tpu.memref_slice %arg4[%add3A_60, %dma_start3A_63] : memref<32768x64xf32, #tpu.memory_space<hbm>> -> memref<128x64xf32, #tpu.memory_space<hbm>>
    tpu.enqueue_dma source(%arg10 : memref<128x64xf32, #tpu.memory_space<vmem>>) target(%dma_start3A_64 : memref<128x64xf32, #tpu.memory_space<hbm>>) target_semaphore(%arg16 : memref<!tpu.dma_semaphore, #tpu.memory_space<semaphore_mem>>)
    %dma_start3A_65 = arith.constant 0 : i32
    %dma_start3A_66 = tpu.memref_slice %arg5[%add3A_60, %dma_start3A_65] : memref<32768x64xf32, #tpu.memory_space<hbm>> -> memref<128x64xf32, #tpu.memory_space<hbm>>
    %dma_start3A_67 = arith.constant 0 : i32
    %dma_start3A_68 = tpu.memref_slice %arg5[%add3A_60, %dma_start3A_67] : memref<32768x64xf32, #tpu.memory_space<hbm>> -> memref<128x64xf32, #tpu.memory_space<hbm>>
    tpu.enqueue_dma source(%arg12 : memref<128x64xf32, #tpu.memory_space<vmem>>) target(%dma_start3A_68 : memref<128x64xf32, #tpu.memory_space<hbm>>) target_semaphore(%arg18 : memref<!tpu.dma_semaphore, #tpu.memory_space<semaphore_mem>>)
    %dma_start3A_69 = arith.constant 3 : i32
    %dma_start3A_70 = arith.constant 0 : i32
    %dma_start3A_71 = tpu.memref_slice %arg6[%dma_start3A_69, %dma_start3A_70] : memref<8x128xi32, #tpu.memory_space<vmem>> -> memref<1x128xi32, #tpu.memory_space<vmem>>
    %dma_start3A_72 = tpu.memref_squeeze %dma_start3A_71 : memref<1x128xi32, #tpu.memory_space<vmem>> -> memref<128xi32, #tpu.memory_space<vmem>>
    %dma_start3A_73 = arith.constant 0 : i32
    %dma_start3A_74 = arith.constant 0 : i32
    %dma_start3A_75 = tpu.memref_slice %arg3[%dma_start3A_73, %dma_start3A_74] : memref<32768x128xf32, #tpu.memory_space<hbm>> -> memref<32768x128xf32, #tpu.memory_space<hbm>>
    tpu.enqueue_indirect_dma source(%dma_start3A_75 : memref<32768x128xf32, #tpu.memory_space<hbm>>) target(%arg8 : memref<128x128xf32, #tpu.memory_space<vmem>>) offsets(%dma_start3A_72 : memref<128xi32, #tpu.memory_space<vmem>>) semaphore(%arg14 : memref<!tpu.dma_semaphore, #tpu.memory_space<semaphore_mem>>)
    %dma_wait3A_76 = arith.constant 2 : i32
    %dma_wait3A_77 = arith.constant 0 : i32
    %dma_wait3A_78 = tpu.memref_slice %arg6[%dma_wait3A_76, %dma_wait3A_77] : memref<8x128xi32, #tpu.memory_space<vmem>> -> memref<1x128xi32, #tpu.memory_space<vmem>>
    %dma_wait3A_79 = tpu.memref_squeeze %dma_wait3A_78 : memref<1x128xi32, #tpu.memory_space<vmem>> -> memref<128xi32, #tpu.memory_space<vmem>>
    %dma_wait3A_80 = arith.constant 0 : i32
    %dma_wait3A_81 = arith.constant 0 : i32
    %dma_wait3A_82 = tpu.memref_slice %arg3[%dma_wait3A_80, %dma_wait3A_81] : memref<32768x128xf32, #tpu.memory_space<hbm>> -> memref<32768x128xf32, #tpu.memory_space<hbm>>
    tpu.wait_indirect_dma semaphore(%arg13 : memref<!tpu.dma_semaphore, #tpu.memory_space<semaphore_mem>>) src(%dma_wait3A_82 : memref<32768x128xf32, #tpu.memory_space<hbm>>) dst(%arg7 : memref<128x128xf32, #tpu.memory_space<vmem>>)
    %dma_wait3A_83 = arith.constant 0 : i32
    %dma_wait3A_84 = tpu.memref_slice %arg4[%add3A_30, %dma_wait3A_83] : memref<32768x64xf32, #tpu.memory_space<hbm>> -> memref<128x64xf32, #tpu.memory_space<hbm>>
    %dma_wait3A_85 = arith.constant 0 : i32
    %dma_wait3A_86 = tpu.memref_slice %arg4[%add3A_30, %dma_wait3A_85] : memref<32768x64xf32, #tpu.memory_space<hbm>> -> memref<128x64xf32, #tpu.memory_space<hbm>>
    tpu.wait_dma2 semaphore(%arg15 : memref<!tpu.dma_semaphore, #tpu.memory_space<semaphore_mem>>) src(%arg9 : memref<128x64xf32, #tpu.memory_space<vmem>>) dst(%dma_wait3A_86 : memref<128x64xf32, #tpu.memory_space<hbm>>)
    %dma_wait3A_87 = arith.constant 0 : i32
    %dma_wait3A_88 = tpu.memref_slice %arg5[%add3A_30, %dma_wait3A_87] : memref<32768x64xf32, #tpu.memory_space<hbm>> -> memref<128x64xf32, #tpu.memory_space<hbm>>
    %dma_wait3A_89 = arith.constant 0 : i32
    %dma_wait3A_90 = tpu.memref_slice %arg5[%add3A_30, %dma_wait3A_89] : memref<32768x64xf32, #tpu.memory_space<hbm>> -> memref<128x64xf32, #tpu.memory_space<hbm>>
    tpu.wait_dma2 semaphore(%arg17 : memref<!tpu.dma_semaphore, #tpu.memory_space<semaphore_mem>>) src(%arg11 : memref<128x64xf32, #tpu.memory_space<vmem>>) dst(%dma_wait3A_90 : memref<128x64xf32, #tpu.memory_space<hbm>>)
    %scan3A_91 = arith.constant 0 : i32
    %scan3A_92 = arith.constant 0 : i32
    %scan3A_93 = arith.constant 128 : i32
    %scan3A_94 = arith.addi %scan3A_92, %scan3A_93 : i32
    %scan3A_95 = arith.constant 1 : i32
    scf.for %scan3A_306 = %scan3A_92 to %scan3A_94 step %scan3A_95  : i32 {
      %get3A = arith.index_cast %scan3A_306 : i32 to index
      %get3A_307 = arith.constant 0 : index
      %get3A_308 = tpu.vector_load %arg7[%get3A, %get3A_307] {strides = array<i32>} : memref<128x128xf32, #tpu.memory_space<vmem>>, vector<1x16xf32>,
      %get3A_309 = vector.shape_cast %get3A_308 : vector<1x16xf32> to vector<16xf32>
      %swap3A = arith.index_cast %scan3A_306 : i32 to index
      %swap3A_310 = arith.constant 0 : index
      %swap3A_311 = tpu.vector_load %arg9[%swap3A, %swap3A_310] {strides = array<i32>} : memref<128x64xf32, #tpu.memory_space<vmem>>, vector<1x16xf32>,
      %swap3A_312 = vector.shape_cast %swap3A_311 : vector<1x16xf32> to vector<16xf32>
      %swap3A_313 = vector.shape_cast %get3A_309 : vector<16xf32> to vector<1x16xf32>
      tpu.vector_store %arg9[%swap3A, %swap3A_310], %swap3A_313 {strides = array<i32>} : memref<128x64xf32, #tpu.memory_space<vmem>>, vector<1x16xf32>,
      %get3A_314 = arith.index_cast %scan3A_306 : i32 to index
      %get3A_315 = arith.constant 64 : index
      %get3A_316 = tpu.vector_load %arg7[%get3A_314, %get3A_315] {strides = array<i32>} : memref<128x128xf32, #tpu.memory_space<vmem>>, vector<1x16xf32>,
      %get3A_317 = vector.shape_cast %get3A_316 : vector<1x16xf32> to vector<16xf32>
      %swap3A_318 = arith.index_cast %scan3A_306 : i32 to index
      %swap3A_319 = arith.constant 0 : index
      %swap3A_320 = tpu.vector_load %arg11[%swap3A_318, %swap3A_319] {strides = array<i32>} : memref<128x64xf32, #tpu.memory_space<vmem>>, vector<1x16xf32>,
      %swap3A_321 = vector.shape_cast %swap3A_320 : vector<1x16xf32> to vector<16xf32>
      %swap3A_322 = vector.shape_cast %get3A_317 : vector<16xf32> to vector<1x16xf32>
      tpu.vector_store %arg11[%swap3A_318, %swap3A_319], %swap3A_322 {strides = array<i32>} : memref<128x64xf32, #tpu.memory_space<vmem>>, vector<1x16xf32>,
      %get3A_323 = arith.index_cast %scan3A_306 : i32 to index
      %get3A_324 = arith.constant 16 : index
      %get3A_325 = tpu.vector_load %arg7[%get3A_323, %get3A_324] {strides = array<i32>} : memref<128x128xf32, #tpu.memory_space<vmem>>, vector<1x16xf32>,
      %get3A_326 = vector.shape_cast %get3A_325 : vector<1x16xf32> to vector<16xf32>
      %swap3A_327 = arith.index_cast %scan3A_306 : i32 to index
      %swap3A_328 = arith.constant 16 : index
      %swap3A_329 = tpu.vector_load %arg9[%swap3A_327, %swap3A_328] {strides = array<i32>} : memref<128x64xf32, #tpu.memory_space<vmem>>, vector<1x16xf32>,
      %swap3A_330 = vector.shape_cast %swap3A_329 : vector<1x16xf32> to vector<16xf32>
      %swap3A_331 = vector.shape_cast %get3A_326 : vector<16xf32> to vector<1x16xf32>
      tpu.vector_store %arg9[%swap3A_327, %swap3A_328], %swap3A_331 {strides = array<i32>} : memref<128x64xf32, #tpu.memory_space<vmem>>, vector<1x16xf32>,
      %get3A_332 = arith.index_cast %scan3A_306 : i32 to index
      %get3A_333 = arith.constant 80 : index
      %get3A_334 = tpu.vector_load %arg7[%get3A_332, %get3A_333] {strides = array<i32>} : memref<128x128xf32, #tpu.memory_space<vmem>>, vector<1x16xf32>,
      %get3A_335 = vector.shape_cast %get3A_334 : vector<1x16xf32> to vector<16xf32>
      %swap3A_336 = arith.index_cast %scan3A_306 : i32 to index
      %swap3A_337 = arith.constant 16 : index
      %swap3A_338 = tpu.vector_load %arg11[%swap3A_336, %swap3A_337] {strides = array<i32>} : memref<128x64xf32, #tpu.memory_space<vmem>>, vector<1x16xf32>,
      %swap3A_339 = vector.shape_cast %swap3A_338 : vector<1x16xf32> to vector<16xf32>
      %swap3A_340 = vector.shape_cast %get3A_335 : vector<16xf32> to vector<1x16xf32>
      tpu.vector_store %arg11[%swap3A_336, %swap3A_337], %swap3A_340 {strides = array<i32>} : memref<128x64xf32, #tpu.memory_space<vmem>>, vector<1x16xf32>,
      %get3A_341 = arith.index_cast %scan3A_306 : i32 to index
      %get3A_342 = arith.constant 32 : index
      %get3A_343 = tpu.vector_load %arg7[%get3A_341, %get3A_342] {strides = array<i32>} : memref<128x128xf32, #tpu.memory_space<vmem>>, vector<1x16xf32>,
      %get3A_344 = vector.shape_cast %get3A_343 : vector<1x16xf32> to vector<16xf32>
      %swap3A_345 = arith.index_cast %scan3A_306 : i32 to index
      %swap3A_346 = arith.constant 32 : index
      %swap3A_347 = tpu.vector_load %arg9[%swap3A_345, %swap3A_346] {strides = array<i32>} : memref<128x64xf32, #tpu.memory_space<vmem>>, vector<1x16xf32>,
      %swap3A_348 = vector.shape_cast %swap3A_347 : vector<1x16xf32> to vector<16xf32>
      %swap3A_349 = vector.shape_cast %get3A_344 : vector<16xf32> to vector<1x16xf32>
      tpu.vector_store %arg9[%swap3A_345, %swap3A_346], %swap3A_349 {strides = array<i32>} : memref<128x64xf32, #tpu.memory_space<vmem>>, vector<1x16xf32>,
      %get3A_350 = arith.index_cast %scan3A_306 : i32 to index
      %get3A_351 = arith.constant 96 : index
      %get3A_352 = tpu.vector_load %arg7[%get3A_350, %get3A_351] {strides = array<i32>} : memref<128x128xf32, #tpu.memory_space<vmem>>, vector<1x16xf32>,
      %get3A_353 = vector.shape_cast %get3A_352 : vector<1x16xf32> to vector<16xf32>
      %swap3A_354 = arith.index_cast %scan3A_306 : i32 to index
      %swap3A_355 = arith.constant 32 : index
      %swap3A_356 = tpu.vector_load %arg11[%swap3A_354, %swap3A_355] {strides = array<i32>} : memref<128x64xf32, #tpu.memory_space<vmem>>, vector<1x16xf32>,
      %swap3A_357 = vector.shape_cast %swap3A_356 : vector<1x16xf32> to vector<16xf32>
      %swap3A_358 = vector.shape_cast %get3A_353 : vector<16xf32> to vector<1x16xf32>
      tpu.vector_store %arg11[%swap3A_354, %swap3A_355], %swap3A_358 {strides = array<i32>} : memref<128x64xf32, #tpu.memory_space<vmem>>, vector<1x16xf32>,
      %get3A_359 = arith.index_cast %scan3A_306 : i32 to index
      %get3A_360 = arith.constant 48 : index
      %get3A_361 = tpu.vector_load %arg7[%get3A_359, %get3A_360] {strides = array<i32>} : memref<128x128xf32, #tpu.memory_space<vmem>>, vector<1x16xf32>,
      %get3A_362 = vector.shape_cast %get3A_361 : vector<1x16xf32> to vector<16xf32>
      %swap3A_363 = arith.index_cast %scan3A_306 : i32 to index
      %swap3A_364 = arith.constant 48 : index
      %swap3A_365 = tpu.vector_load %arg9[%swap3A_363, %swap3A_364] {strides = array<i32>} : memref<128x64xf32, #tpu.memory_space<vmem>>, vector<1x16xf32>,
      %swap3A_366 = vector.shape_cast %swap3A_365 : vector<1x16xf32> to vector<16xf32>
      %swap3A_367 = vector.shape_cast %get3A_362 : vector<16xf32> to vector<1x16xf32>
      tpu.vector_store %arg9[%swap3A_363, %swap3A_364], %swap3A_367 {strides = array<i32>} : memref<128x64xf32, #tpu.memory_space<vmem>>, vector<1x16xf32>,
      %get3A_368 = arith.index_cast %scan3A_306 : i32 to index
      %get3A_369 = arith.constant 112 : index
      %get3A_370 = tpu.vector_load %arg7[%get3A_368, %get3A_369] {strides = array<i32>} : memref<128x128xf32, #tpu.memory_space<vmem>>, vector<1x16xf32>,
      %get3A_371 = vector.shape_cast %get3A_370 : vector<1x16xf32> to vector<16xf32>
      %swap3A_372 = arith.index_cast %scan3A_306 : i32 to index
      %swap3A_373 = arith.constant 48 : index
      %swap3A_374 = tpu.vector_load %arg11[%swap3A_372, %swap3A_373] {strides = array<i32>} : memref<128x64xf32, #tpu.memory_space<vmem>>, vector<1x16xf32>,
      %swap3A_375 = vector.shape_cast %swap3A_374 : vector<1x16xf32> to vector<16xf32>
      %swap3A_376 = vector.shape_cast %get3A_371 : vector<16xf32> to vector<1x16xf32>
      tpu.vector_store %arg11[%swap3A_372, %swap3A_373], %swap3A_376 {strides = array<i32>} : memref<128x64xf32, #tpu.memory_space<vmem>>, vector<1x16xf32>,
    }
    %scan3A_96 = arith.constant 128 : i32
    %add3A_97 = arith.constant 256 : i32
    %add3A_98 = arith.addi %mul3A_4, %add3A_97 : i32
    %dma_start3A_99 = arith.constant 0 : i32
    %dma_start3A_100 = tpu.memref_slice %arg4[%add3A_98, %dma_start3A_99] : memref<32768x64xf32, #tpu.memory_space<hbm>> -> memref<128x64xf32, #tpu.memory_space<hbm>>
    %dma_start3A_101 = arith.constant 0 : i32
    %dma_start3A_102 = tpu.memref_slice %arg4[%add3A_98, %dma_start3A_101] : memref<32768x64xf32, #tpu.memory_space<hbm>> -> memref<128x64xf32, #tpu.memory_space<hbm>>
    tpu.enqueue_dma source(%arg9 : memref<128x64xf32, #tpu.memory_space<vmem>>) target(%dma_start3A_102 : memref<128x64xf32, #tpu.memory_space<hbm>>) target_semaphore(%arg15 : memref<!tpu.dma_semaphore, #tpu.memory_space<semaphore_mem>>)
    %dma_start3A_103 = arith.constant 0 : i32
    %dma_start3A_104 = tpu.memref_slice %arg5[%add3A_98, %dma_start3A_103] : memref<32768x64xf32, #tpu.memory_space<hbm>> -> memref<128x64xf32, #tpu.memory_space<hbm>>
    %dma_start3A_105 = arith.constant 0 : i32
    %dma_start3A_106 = tpu.memref_slice %arg5[%add3A_98, %dma_start3A_105] : memref<32768x64xf32, #tpu.memory_space<hbm>> -> memref<128x64xf32, #tpu.memory_space<hbm>>
    tpu.enqueue_dma source(%arg11 : memref<128x64xf32, #tpu.memory_space<vmem>>) target(%dma_start3A_106 : memref<128x64xf32, #tpu.memory_space<hbm>>) target_semaphore(%arg17 : memref<!tpu.dma_semaphore, #tpu.memory_space<semaphore_mem>>)
    %dma_start3A_107 = arith.constant 4 : i32
    %dma_start3A_108 = arith.constant 0 : i32
    %dma_start3A_109 = tpu.memref_slice %arg6[%dma_start3A_107, %dma_start3A_108] : memref<8x128xi32, #tpu.memory_space<vmem>> -> memref<1x128xi32, #tpu.memory_space<vmem>>
    %dma_start3A_110 = tpu.memref_squeeze %dma_start3A_109 : memref<1x128xi32, #tpu.memory_space<vmem>> -> memref<128xi32, #tpu.memory_space<vmem>>
    %dma_start3A_111 = arith.constant 0 : i32
    %dma_start3A_112 = arith.constant 0 : i32
    %dma_start3A_113 = tpu.memref_slice %arg3[%dma_start3A_111, %dma_start3A_112] : memref<32768x128xf32, #tpu.memory_space<hbm>> -> memref<32768x128xf32, #tpu.memory_space<hbm>>
    tpu.enqueue_indirect_dma source(%dma_start3A_113 : memref<32768x128xf32, #tpu.memory_space<hbm>>) target(%arg7 : memref<128x128xf32, #tpu.memory_space<vmem>>) offsets(%dma_start3A_110 : memref<128xi32, #tpu.memory_space<vmem>>) semaphore(%arg13 : memref<!tpu.dma_semaphore, #tpu.memory_space<semaphore_mem>>)
    %dma_wait3A_114 = arith.constant 3 : i32
    %dma_wait3A_115 = arith.constant 0 : i32
    %dma_wait3A_116 = tpu.memref_slice %arg6[%dma_wait3A_114, %dma_wait3A_115] : memref<8x128xi32, #tpu.memory_space<vmem>> -> memref<1x128xi32, #tpu.memory_space<vmem>>
    %dma_wait3A_117 = tpu.memref_squeeze %dma_wait3A_116 : memref<1x128xi32, #tpu.memory_space<vmem>> -> memref<128xi32, #tpu.memory_space<vmem>>
    %dma_wait3A_118 = arith.constant 0 : i32
    %dma_wait3A_119 = arith.constant 0 : i32
    %dma_wait3A_120 = tpu.memref_slice %arg3[%dma_wait3A_118, %dma_wait3A_119] : memref<32768x128xf32, #tpu.memory_space<hbm>> -> memref<32768x128xf32, #tpu.memory_space<hbm>>
    tpu.wait_indirect_dma semaphore(%arg14 : memref<!tpu.dma_semaphore, #tpu.memory_space<semaphore_mem>>) src(%dma_wait3A_120 : memref<32768x128xf32, #tpu.memory_space<hbm>>) dst(%arg8 : memref<128x128xf32, #tpu.memory_space<vmem>>)
    %dma_wait3A_121 = arith.constant 0 : i32
    %dma_wait3A_122 = tpu.memref_slice %arg4[%add3A_60, %dma_wait3A_121] : memref<32768x64xf32, #tpu.memory_space<hbm>> -> memref<128x64xf32, #tpu.memory_space<hbm>>
    %dma_wait3A_123 = arith.constant 0 : i32
    %dma_wait3A_124 = tpu.memref_slice %arg4[%add3A_60, %dma_wait3A_123] : memref<32768x64xf32, #tpu.memory_space<hbm>> -> memref<128x64xf32, #tpu.memory_space<hbm>>
    tpu.wait_dma2 semaphore(%arg16 : memref<!tpu.dma_semaphore, #tpu.memory_space<semaphore_mem>>) src(%arg10 : memref<128x64xf32, #tpu.memory_space<vmem>>) dst(%dma_wait3A_124 : memref<128x64xf32, #tpu.memory_space<hbm>>)
    %dma_wait3A_125 = arith.constant 0 : i32
    %dma_wait3A_126 = tpu.memref_slice %arg5[%add3A_60, %dma_wait3A_125] : memref<32768x64xf32, #tpu.memory_space<hbm>> -> memref<128x64xf32, #tpu.memory_space<hbm>>
    %dma_wait3A_127 = arith.constant 0 : i32
    %dma_wait3A_128 = tpu.memref_slice %arg5[%add3A_60, %dma_wait3A_127] : memref<32768x64xf32, #tpu.memory_space<hbm>> -> memref<128x64xf32, #tpu.memory_space<hbm>>
    tpu.wait_dma2 semaphore(%arg18 : memref<!tpu.dma_semaphore, #tpu.memory_space<semaphore_mem>>) src(%arg12 : memref<128x64xf32, #tpu.memory_space<vmem>>) dst(%dma_wait3A_128 : memref<128x64xf32, #tpu.memory_space<hbm>>)
    %scan3A_129 = arith.constant 0 : i32
    %scan3A_130 = arith.constant 0 : i32
    %scan3A_131 = arith.constant 128 : i32
    %scan3A_132 = arith.addi %scan3A_130, %scan3A_131 : i32
    %scan3A_133 = arith.constant 1 : i32
    scf.for %scan3A_306 = %scan3A_130 to %scan3A_132 step %scan3A_133  : i32 {
      %get3A = arith.index_cast %scan3A_306 : i32 to index
      %get3A_307 = arith.constant 0 : index
      %get3A_308 = tpu.vector_load %arg8[%get3A, %get3A_307] {strides = array<i32>} : memref<128x128xf32, #tpu.memory_space<vmem>>, vector<1x16xf32>,
      %get3A_309 = vector.shape_cast %get3A_308 : vector<1x16xf32> to vector<16xf32>
      %swap3A = arith.index_cast %scan3A_306 : i32 to index
      %swap3A_310 = arith.constant 0 : index
      %swap3A_311 = tpu.vector_load %arg10[%swap3A, %swap3A_310] {strides = array<i32>} : memref<128x64xf32, #tpu.memory_space<vmem>>, vector<1x16xf32>,
      %swap3A_312 = vector.shape_cast %swap3A_311 : vector<1x16xf32> to vector<16xf32>
      %swap3A_313 = vector.shape_cast %get3A_309 : vector<16xf32> to vector<1x16xf32>
      tpu.vector_store %arg10[%swap3A, %swap3A_310], %swap3A_313 {strides = array<i32>} : memref<128x64xf32, #tpu.memory_space<vmem>>, vector<1x16xf32>,
      %get3A_314 = arith.index_cast %scan3A_306 : i32 to index
      %get3A_315 = arith.constant 64 : index
      %get3A_316 = tpu.vector_load %arg8[%get3A_314, %get3A_315] {strides = array<i32>} : memref<128x128xf32, #tpu.memory_space<vmem>>, vector<1x16xf32>,
      %get3A_317 = vector.shape_cast %get3A_316 : vector<1x16xf32> to vector<16xf32>
      %swap3A_318 = arith.index_cast %scan3A_306 : i32 to index
      %swap3A_319 = arith.constant 0 : index
      %swap3A_320 = tpu.vector_load %arg12[%swap3A_318, %swap3A_319] {strides = array<i32>} : memref<128x64xf32, #tpu.memory_space<vmem>>, vector<1x16xf32>,
      %swap3A_321 = vector.shape_cast %swap3A_320 : vector<1x16xf32> to vector<16xf32>
      %swap3A_322 = vector.shape_cast %get3A_317 : vector<16xf32> to vector<1x16xf32>
      tpu.vector_store %arg12[%swap3A_318, %swap3A_319], %swap3A_322 {strides = array<i32>} : memref<128x64xf32, #tpu.memory_space<vmem>>, vector<1x16xf32>,
      %get3A_323 = arith.index_cast %scan3A_306 : i32 to index
      %get3A_324 = arith.constant 16 : index
      %get3A_325 = tpu.vector_load %arg8[%get3A_323, %get3A_324] {strides = array<i32>} : memref<128x128xf32, #tpu.memory_space<vmem>>, vector<1x16xf32>,
      %get3A_326 = vector.shape_cast %get3A_325 : vector<1x16xf32> to vector<16xf32>
      %swap3A_327 = arith.index_cast %scan3A_306 : i32 to index
      %swap3A_328 = arith.constant 16 : index
      %swap3A_329 = tpu.vector_load %arg10[%swap3A_327, %swap3A_328] {strides = array<i32>} : memref<128x64xf32, #tpu.memory_space<vmem>>, vector<1x16xf32>,
      %swap3A_330 = vector.shape_cast %swap3A_329 : vector<1x16xf32> to vector<16xf32>
      %swap3A_331 = vector.shape_cast %get3A_326 : vector<16xf32> to vector<1x16xf32>
      tpu.vector_store %arg10[%swap3A_327, %swap3A_328], %swap3A_331 {strides = array<i32>} : memref<128x64xf32, #tpu.memory_space<vmem>>, vector<1x16xf32>,
      %get3A_332 = arith.index_cast %scan3A_306 : i32 to index
      %get3A_333 = arith.constant 80 : index
      %get3A_334 = tpu.vector_load %arg8[%get3A_332, %get3A_333] {strides = array<i32>} : memref<128x128xf32, #tpu.memory_space<vmem>>, vector<1x16xf32>,
      %get3A_335 = vector.shape_cast %get3A_334 : vector<1x16xf32> to vector<16xf32>
      %swap3A_336 = arith.index_cast %scan3A_306 : i32 to index
      %swap3A_337 = arith.constant 16 : index
      %swap3A_338 = tpu.vector_load %arg12[%swap3A_336, %swap3A_337] {strides = array<i32>} : memref<128x64xf32, #tpu.memory_space<vmem>>, vector<1x16xf32>,
      %swap3A_339 = vector.shape_cast %swap3A_338 : vector<1x16xf32> to vector<16xf32>
      %swap3A_340 = vector.shape_cast %get3A_335 : vector<16xf32> to vector<1x16xf32>
      tpu.vector_store %arg12[%swap3A_336, %swap3A_337], %swap3A_340 {strides = array<i32>} : memref<128x64xf32, #tpu.memory_space<vmem>>, vector<1x16xf32>,
      %get3A_341 = arith.index_cast %scan3A_306 : i32 to index
      %get3A_342 = arith.constant 32 : index
      %get3A_343 = tpu.vector_load %arg8[%get3A_341, %get3A_342] {strides = array<i32>} : memref<128x128xf32, #tpu.memory_space<vmem>>, vector<1x16xf32>,
      %get3A_344 = vector.shape_cast %get3A_343 : vector<1x16xf32> to vector<16xf32>
      %swap3A_345 = arith.index_cast %scan3A_306 : i32 to index
      %swap3A_346 = arith.constant 32 : index
      %swap3A_347 = tpu.vector_load %arg10[%swap3A_345, %swap3A_346] {strides = array<i32>} : memref<128x64xf32, #tpu.memory_space<vmem>>, vector<1x16xf32>,
      %swap3A_348 = vector.shape_cast %swap3A_347 : vector<1x16xf32> to vector<16xf32>
      %swap3A_349 = vector.shape_cast %get3A_344 : vector<16xf32> to vector<1x16xf32>
      tpu.vector_store %arg10[%swap3A_345, %swap3A_346], %swap3A_349 {strides = array<i32>} : memref<128x64xf32, #tpu.memory_space<vmem>>, vector<1x16xf32>,
      %get3A_350 = arith.index_cast %scan3A_306 : i32 to index
      %get3A_351 = arith.constant 96 : index
      %get3A_352 = tpu.vector_load %arg8[%get3A_350, %get3A_351] {strides = array<i32>} : memref<128x128xf32, #tpu.memory_space<vmem>>, vector<1x16xf32>,
      %get3A_353 = vector.shape_cast %get3A_352 : vector<1x16xf32> to vector<16xf32>
      %swap3A_354 = arith.index_cast %scan3A_306 : i32 to index
      %swap3A_355 = arith.constant 32 : index
      %swap3A_356 = tpu.vector_load %arg12[%swap3A_354, %swap3A_355] {strides = array<i32>} : memref<128x64xf32, #tpu.memory_space<vmem>>, vector<1x16xf32>,
      %swap3A_357 = vector.shape_cast %swap3A_356 : vector<1x16xf32> to vector<16xf32>
      %swap3A_358 = vector.shape_cast %get3A_353 : vector<16xf32> to vector<1x16xf32>
      tpu.vector_store %arg12[%swap3A_354, %swap3A_355], %swap3A_358 {strides = array<i32>} : memref<128x64xf32, #tpu.memory_space<vmem>>, vector<1x16xf32>,
      %get3A_359 = arith.index_cast %scan3A_306 : i32 to index
      %get3A_360 = arith.constant 48 : index
      %get3A_361 = tpu.vector_load %arg8[%get3A_359, %get3A_360] {strides = array<i32>} : memref<128x128xf32, #tpu.memory_space<vmem>>, vector<1x16xf32>,
      %get3A_362 = vector.shape_cast %get3A_361 : vector<1x16xf32> to vector<16xf32>
      %swap3A_363 = arith.index_cast %scan3A_306 : i32 to index
      %swap3A_364 = arith.constant 48 : index
      %swap3A_365 = tpu.vector_load %arg10[%swap3A_363, %swap3A_364] {strides = array<i32>} : memref<128x64xf32, #tpu.memory_space<vmem>>, vector<1x16xf32>,
      %swap3A_366 = vector.shape_cast %swap3A_365 : vector<1x16xf32> to vector<16xf32>
      %swap3A_367 = vector.shape_cast %get3A_362 : vector<16xf32> to vector<1x16xf32>
      tpu.vector_store %arg10[%swap3A_363, %swap3A_364], %swap3A_367 {strides = array<i32>} : memref<128x64xf32, #tpu.memory_space<vmem>>, vector<1x16xf32>,
      %get3A_368 = arith.index_cast %scan3A_306 : i32 to index
      %get3A_369 = arith.constant 112 : index
      %get3A_370 = tpu.vector_load %arg8[%get3A_368, %get3A_369] {strides = array<i32>} : memref<128x128xf32, #tpu.memory_space<vmem>>, vector<1x16xf32>,
      %get3A_371 = vector.shape_cast %get3A_370 : vector<1x16xf32> to vector<16xf32>
      %swap3A_372 = arith.index_cast %scan3A_306 : i32 to index
      %swap3A_373 = arith.constant 48 : index
      %swap3A_374 = tpu.vector_load %arg12[%swap3A_372, %swap3A_373] {strides = array<i32>} : memref<128x64xf32, #tpu.memory_space<vmem>>, vector<1x16xf32>,
      %swap3A_375 = vector.shape_cast %swap3A_374 : vector<1x16xf32> to vector<16xf32>
      %swap3A_376 = vector.shape_cast %get3A_371 : vector<16xf32> to vector<1x16xf32>
      tpu.vector_store %arg12[%swap3A_372, %swap3A_373], %swap3A_376 {strides = array<i32>} : memref<128x64xf32, #tpu.memory_space<vmem>>, vector<1x16xf32>,
    }
    %scan3A_134 = arith.constant 128 : i32
    %add3A_135 = arith.constant 384 : i32
    %add3A_136 = arith.addi %mul3A_4, %add3A_135 : i32
    %dma_start3A_137 = arith.constant 0 : i32
    %dma_start3A_138 = tpu.memref_slice %arg4[%add3A_136, %dma_start3A_137] : memref<32768x64xf32, #tpu.memory_space<hbm>> -> memref<128x64xf32, #tpu.memory_space<hbm>>
    %dma_start3A_139 = arith.constant 0 : i32
    %dma_start3A_140 = tpu.memref_slice %arg4[%add3A_136, %dma_start3A_139] : memref<32768x64xf32, #tpu.memory_space<hbm>> -> memref<128x64xf32, #tpu.memory_space<hbm>>
    tpu.enqueue_dma source(%arg10 : memref<128x64xf32, #tpu.memory_space<vmem>>) target(%dma_start3A_140 : memref<128x64xf32, #tpu.memory_space<hbm>>) target_semaphore(%arg16 : memref<!tpu.dma_semaphore, #tpu.memory_space<semaphore_mem>>)
    %dma_start3A_141 = arith.constant 0 : i32
    %dma_start3A_142 = tpu.memref_slice %arg5[%add3A_136, %dma_start3A_141] : memref<32768x64xf32, #tpu.memory_space<hbm>> -> memref<128x64xf32, #tpu.memory_space<hbm>>
    %dma_start3A_143 = arith.constant 0 : i32
    %dma_start3A_144 = tpu.memref_slice %arg5[%add3A_136, %dma_start3A_143] : memref<32768x64xf32, #tpu.memory_space<hbm>> -> memref<128x64xf32, #tpu.memory_space<hbm>>
    tpu.enqueue_dma source(%arg12 : memref<128x64xf32, #tpu.memory_space<vmem>>) target(%dma_start3A_144 : memref<128x64xf32, #tpu.memory_space<hbm>>) target_semaphore(%arg18 : memref<!tpu.dma_semaphore, #tpu.memory_space<semaphore_mem>>)
    %dma_start3A_145 = arith.constant 5 : i32
    %dma_start3A_146 = arith.constant 0 : i32
    %dma_start3A_147 = tpu.memref_slice %arg6[%dma_start3A_145, %dma_start3A_146] : memref<8x128xi32, #tpu.memory_space<vmem>> -> memref<1x128xi32, #tpu.memory_space<vmem>>
    %dma_start3A_148 = tpu.memref_squeeze %dma_start3A_147 : memref<1x128xi32, #tpu.memory_space<vmem>> -> memref<128xi32, #tpu.memory_space<vmem>>
    %dma_start3A_149 = arith.constant 0 : i32
    %dma_start3A_150 = arith.constant 0 : i32
    %dma_start3A_151 = tpu.memref_slice %arg3[%dma_start3A_149, %dma_start3A_150] : memref<32768x128xf32, #tpu.memory_space<hbm>> -> memref<32768x128xf32, #tpu.memory_space<hbm>>
    tpu.enqueue_indirect_dma source(%dma_start3A_151 : memref<32768x128xf32, #tpu.memory_space<hbm>>) target(%arg8 : memref<128x128xf32, #tpu.memory_space<vmem>>) offsets(%dma_start3A_148 : memref<128xi32, #tpu.memory_space<vmem>>) semaphore(%arg14 : memref<!tpu.dma_semaphore, #tpu.memory_space<semaphore_mem>>)
    %dma_wait3A_152 = arith.constant 4 : i32
    %dma_wait3A_153 = arith.constant 0 : i32
    %dma_wait3A_154 = tpu.memref_slice %arg6[%dma_wait3A_152, %dma_wait3A_153] : memref<8x128xi32, #tpu.memory_space<vmem>> -> memref<1x128xi32, #tpu.memory_space<vmem>>
    %dma_wait3A_155 = tpu.memref_squeeze %dma_wait3A_154 : memref<1x128xi32, #tpu.memory_space<vmem>> -> memref<128xi32, #tpu.memory_space<vmem>>
    %dma_wait3A_156 = arith.constant 0 : i32
    %dma_wait3A_157 = arith.constant 0 : i32
    %dma_wait3A_158 = tpu.memref_slice %arg3[%dma_wait3A_156, %dma_wait3A_157] : memref<32768x128xf32, #tpu.memory_space<hbm>> -> memref<32768x128xf32, #tpu.memory_space<hbm>>
    tpu.wait_indirect_dma semaphore(%arg13 : memref<!tpu.dma_semaphore, #tpu.memory_space<semaphore_mem>>) src(%dma_wait3A_158 : memref<32768x128xf32, #tpu.memory_space<hbm>>) dst(%arg7 : memref<128x128xf32, #tpu.memory_space<vmem>>)
    %dma_wait3A_159 = arith.constant 0 : i32
    %dma_wait3A_160 = tpu.memref_slice %arg4[%add3A_98, %dma_wait3A_159] : memref<32768x64xf32, #tpu.memory_space<hbm>> -> memref<128x64xf32, #tpu.memory_space<hbm>>
    %dma_wait3A_161 = arith.constant 0 : i32
    %dma_wait3A_162 = tpu.memref_slice %arg4[%add3A_98, %dma_wait3A_161] : memref<32768x64xf32, #tpu.memory_space<hbm>> -> memref<128x64xf32, #tpu.memory_space<hbm>>
    tpu.wait_dma2 semaphore(%arg15 : memref<!tpu.dma_semaphore, #tpu.memory_space<semaphore_mem>>) src(%arg9 : memref<128x64xf32, #tpu.memory_space<vmem>>) dst(%dma_wait3A_162 : memref<128x64xf32, #tpu.memory_space<hbm>>)
    %dma_wait3A_163 = arith.constant 0 : i32
    %dma_wait3A_164 = tpu.memref_slice %arg5[%add3A_98, %dma_wait3A_163] : memref<32768x64xf32, #tpu.memory_space<hbm>> -> memref<128x64xf32, #tpu.memory_space<hbm>>
    %dma_wait3A_165 = arith.constant 0 : i32
    %dma_wait3A_166 = tpu.memref_slice %arg5[%add3A_98, %dma_wait3A_165] : memref<32768x64xf32, #tpu.memory_space<hbm>> -> memref<128x64xf32, #tpu.memory_space<hbm>>
    tpu.wait_dma2 semaphore(%arg17 : memref<!tpu.dma_semaphore, #tpu.memory_space<semaphore_mem>>) src(%arg11 : memref<128x64xf32, #tpu.memory_space<vmem>>) dst(%dma_wait3A_166 : memref<128x64xf32, #tpu.memory_space<hbm>>)
    %scan3A_167 = arith.constant 0 : i32
    %scan3A_168 = arith.constant 0 : i32
    %scan3A_169 = arith.constant 128 : i32
    %scan3A_170 = arith.addi %scan3A_168, %scan3A_169 : i32
    %scan3A_171 = arith.constant 1 : i32
    scf.for %scan3A_306 = %scan3A_168 to %scan3A_170 step %scan3A_171  : i32 {
      %get3A = arith.index_cast %scan3A_306 : i32 to index
      %get3A_307 = arith.constant 0 : index
      %get3A_308 = tpu.vector_load %arg7[%get3A, %get3A_307] {strides = array<i32>} : memref<128x128xf32, #tpu.memory_space<vmem>>, vector<1x16xf32>,
      %get3A_309 = vector.shape_cast %get3A_308 : vector<1x16xf32> to vector<16xf32>
      %swap3A = arith.index_cast %scan3A_306 : i32 to index
      %swap3A_310 = arith.constant 0 : index
      %swap3A_311 = tpu.vector_load %arg9[%swap3A, %swap3A_310] {strides = array<i32>} : memref<128x64xf32, #tpu.memory_space<vmem>>, vector<1x16xf32>,
      %swap3A_312 = vector.shape_cast %swap3A_311 : vector<1x16xf32> to vector<16xf32>
      %swap3A_313 = vector.shape_cast %get3A_309 : vector<16xf32> to vector<1x16xf32>
      tpu.vector_store %arg9[%swap3A, %swap3A_310], %swap3A_313 {strides = array<i32>} : memref<128x64xf32, #tpu.memory_space<vmem>>, vector<1x16xf32>,
      %get3A_314 = arith.index_cast %scan3A_306 : i32 to index
      %get3A_315 = arith.constant 64 : index
      %get3A_316 = tpu.vector_load %arg7[%get3A_314, %get3A_315] {strides = array<i32>} : memref<128x128xf32, #tpu.memory_space<vmem>>, vector<1x16xf32>,
      %get3A_317 = vector.shape_cast %get3A_316 : vector<1x16xf32> to vector<16xf32>
      %swap3A_318 = arith.index_cast %scan3A_306 : i32 to index
      %swap3A_319 = arith.constant 0 : index
      %swap3A_320 = tpu.vector_load %arg11[%swap3A_318, %swap3A_319] {strides = array<i32>} : memref<128x64xf32, #tpu.memory_space<vmem>>, vector<1x16xf32>,
      %swap3A_321 = vector.shape_cast %swap3A_320 : vector<1x16xf32> to vector<16xf32>
      %swap3A_322 = vector.shape_cast %get3A_317 : vector<16xf32> to vector<1x16xf32>
      tpu.vector_store %arg11[%swap3A_318, %swap3A_319], %swap3A_322 {strides = array<i32>} : memref<128x64xf32, #tpu.memory_space<vmem>>, vector<1x16xf32>,
      %get3A_323 = arith.index_cast %scan3A_306 : i32 to index
      %get3A_324 = arith.constant 16 : index
      %get3A_325 = tpu.vector_load %arg7[%get3A_323, %get3A_324] {strides = array<i32>} : memref<128x128xf32, #tpu.memory_space<vmem>>, vector<1x16xf32>,
      %get3A_326 = vector.shape_cast %get3A_325 : vector<1x16xf32> to vector<16xf32>
      %swap3A_327 = arith.index_cast %scan3A_306 : i32 to index
      %swap3A_328 = arith.constant 16 : index
      %swap3A_329 = tpu.vector_load %arg9[%swap3A_327, %swap3A_328] {strides = array<i32>} : memref<128x64xf32, #tpu.memory_space<vmem>>, vector<1x16xf32>,
      %swap3A_330 = vector.shape_cast %swap3A_329 : vector<1x16xf32> to vector<16xf32>
      %swap3A_331 = vector.shape_cast %get3A_326 : vector<16xf32> to vector<1x16xf32>
      tpu.vector_store %arg9[%swap3A_327, %swap3A_328], %swap3A_331 {strides = array<i32>} : memref<128x64xf32, #tpu.memory_space<vmem>>, vector<1x16xf32>,
      %get3A_332 = arith.index_cast %scan3A_306 : i32 to index
      %get3A_333 = arith.constant 80 : index
      %get3A_334 = tpu.vector_load %arg7[%get3A_332, %get3A_333] {strides = array<i32>} : memref<128x128xf32, #tpu.memory_space<vmem>>, vector<1x16xf32>,
      %get3A_335 = vector.shape_cast %get3A_334 : vector<1x16xf32> to vector<16xf32>
      %swap3A_336 = arith.index_cast %scan3A_306 : i32 to index
      %swap3A_337 = arith.constant 16 : index
      %swap3A_338 = tpu.vector_load %arg11[%swap3A_336, %swap3A_337] {strides = array<i32>} : memref<128x64xf32, #tpu.memory_space<vmem>>, vector<1x16xf32>,
      %swap3A_339 = vector.shape_cast %swap3A_338 : vector<1x16xf32> to vector<16xf32>
      %swap3A_340 = vector.shape_cast %get3A_335 : vector<16xf32> to vector<1x16xf32>
      tpu.vector_store %arg11[%swap3A_336, %swap3A_337], %swap3A_340 {strides = array<i32>} : memref<128x64xf32, #tpu.memory_space<vmem>>, vector<1x16xf32>,
      %get3A_341 = arith.index_cast %scan3A_306 : i32 to index
      %get3A_342 = arith.constant 32 : index
      %get3A_343 = tpu.vector_load %arg7[%get3A_341, %get3A_342] {strides = array<i32>} : memref<128x128xf32, #tpu.memory_space<vmem>>, vector<1x16xf32>,
      %get3A_344 = vector.shape_cast %get3A_343 : vector<1x16xf32> to vector<16xf32>
      %swap3A_345 = arith.index_cast %scan3A_306 : i32 to index
      %swap3A_346 = arith.constant 32 : index
      %swap3A_347 = tpu.vector_load %arg9[%swap3A_345, %swap3A_346] {strides = array<i32>} : memref<128x64xf32, #tpu.memory_space<vmem>>, vector<1x16xf32>,
      %swap3A_348 = vector.shape_cast %swap3A_347 : vector<1x16xf32> to vector<16xf32>
      %swap3A_349 = vector.shape_cast %get3A_344 : vector<16xf32> to vector<1x16xf32>
      tpu.vector_store %arg9[%swap3A_345, %swap3A_346], %swap3A_349 {strides = array<i32>} : memref<128x64xf32, #tpu.memory_space<vmem>>, vector<1x16xf32>,
      %get3A_350 = arith.index_cast %scan3A_306 : i32 to index
      %get3A_351 = arith.constant 96 : index
      %get3A_352 = tpu.vector_load %arg7[%get3A_350, %get3A_351] {strides = array<i32>} : memref<128x128xf32, #tpu.memory_space<vmem>>, vector<1x16xf32>,
      %get3A_353 = vector.shape_cast %get3A_352 : vector<1x16xf32> to vector<16xf32>
      %swap3A_354 = arith.index_cast %scan3A_306 : i32 to index
      %swap3A_355 = arith.constant 32 : index
      %swap3A_356 = tpu.vector_load %arg11[%swap3A_354, %swap3A_355] {strides = array<i32>} : memref<128x64xf32, #tpu.memory_space<vmem>>, vector<1x16xf32>,
      %swap3A_357 = vector.shape_cast %swap3A_356 : vector<1x16xf32> to vector<16xf32>
      %swap3A_358 = vector.shape_cast %get3A_353 : vector<16xf32> to vector<1x16xf32>
      tpu.vector_store %arg11[%swap3A_354, %swap3A_355], %swap3A_358 {strides = array<i32>} : memref<128x64xf32, #tpu.memory_space<vmem>>, vector<1x16xf32>,
      %get3A_359 = arith.index_cast %scan3A_306 : i32 to index
      %get3A_360 = arith.constant 48 : index
      %get3A_361 = tpu.vector_load %arg7[%get3A_359, %get3A_360] {strides = array<i32>} : memref<128x128xf32, #tpu.memory_space<vmem>>, vector<1x16xf32>,
      %get3A_362 = vector.shape_cast %get3A_361 : vector<1x16xf32> to vector<16xf32>
      %swap3A_363 = arith.index_cast %scan3A_306 : i32 to index
      %swap3A_364 = arith.constant 48 : index
      %swap3A_365 = tpu.vector_load %arg9[%swap3A_363, %swap3A_364] {strides = array<i32>} : memref<128x64xf32, #tpu.memory_space<vmem>>, vector<1x16xf32>,
      %swap3A_366 = vector.shape_cast %swap3A_365 : vector<1x16xf32> to vector<16xf32>
      %swap3A_367 = vector.shape_cast %get3A_362 : vector<16xf32> to vector<1x16xf32>
      tpu.vector_store %arg9[%swap3A_363, %swap3A_364], %swap3A_367 {strides = array<i32>} : memref<128x64xf32, #tpu.memory_space<vmem>>, vector<1x16xf32>,
      %get3A_368 = arith.index_cast %scan3A_306 : i32 to index
      %get3A_369 = arith.constant 112 : index
      %get3A_370 = tpu.vector_load %arg7[%get3A_368, %get3A_369] {strides = array<i32>} : memref<128x128xf32, #tpu.memory_space<vmem>>, vector<1x16xf32>,
      %get3A_371 = vector.shape_cast %get3A_370 : vector<1x16xf32> to vector<16xf32>
      %swap3A_372 = arith.index_cast %scan3A_306 : i32 to index
      %swap3A_373 = arith.constant 48 : index
      %swap3A_374 = tpu.vector_load %arg11[%swap3A_372, %swap3A_373] {strides = array<i32>} : memref<128x64xf32, #tpu.memory_space<vmem>>, vector<1x16xf32>,
      %swap3A_375 = vector.shape_cast %swap3A_374 : vector<1x16xf32> to vector<16xf32>
      %swap3A_376 = vector.shape_cast %get3A_371 : vector<16xf32> to vector<1x16xf32>
      tpu.vector_store %arg11[%swap3A_372, %swap3A_373], %swap3A_376 {strides = array<i32>} : memref<128x64xf32, #tpu.memory_space<vmem>>, vector<1x16xf32>,
    }
    %scan3A_172 = arith.constant 128 : i32
    %add3A_173 = arith.constant 512 : i32
    %add3A_174 = arith.addi %mul3A_4, %add3A_173 : i32
    %dma_start3A_175 = arith.constant 0 : i32
    %dma_start3A_176 = tpu.memref_slice %arg4[%add3A_174, %dma_start3A_175] : memref<32768x64xf32, #tpu.memory_space<hbm>> -> memref<128x64xf32, #tpu.memory_space<hbm>>
    %dma_start3A_177 = arith.constant 0 : i32
    %dma_start3A_178 = tpu.memref_slice %arg4[%add3A_174, %dma_start3A_177] : memref<32768x64xf32, #tpu.memory_space<hbm>> -> memref<128x64xf32, #tpu.memory_space<hbm>>
    tpu.enqueue_dma source(%arg9 : memref<128x64xf32, #tpu.memory_space<vmem>>) target(%dma_start3A_178 : memref<128x64xf32, #tpu.memory_space<hbm>>) target_semaphore(%arg15 : memref<!tpu.dma_semaphore, #tpu.memory_space<semaphore_mem>>)
    %dma_start3A_179 = arith.constant 0 : i32
    %dma_start3A_180 = tpu.memref_slice %arg5[%add3A_174, %dma_start3A_179] : memref<32768x64xf32, #tpu.memory_space<hbm>> -> memref<128x64xf32, #tpu.memory_space<hbm>>
    %dma_start3A_181 = arith.constant 0 : i32
    %dma_start3A_182 = tpu.memref_slice %arg5[%add3A_174, %dma_start3A_181] : memref<32768x64xf32, #tpu.memory_space<hbm>> -> memref<128x64xf32, #tpu.memory_space<hbm>>
    tpu.enqueue_dma source(%arg11 : memref<128x64xf32, #tpu.memory_space<vmem>>) target(%dma_start3A_182 : memref<128x64xf32, #tpu.memory_space<hbm>>) target_semaphore(%arg17 : memref<!tpu.dma_semaphore, #tpu.memory_space<semaphore_mem>>)
    %dma_start3A_183 = arith.constant 6 : i32
    %dma_start3A_184 = arith.constant 0 : i32
    %dma_start3A_185 = tpu.memref_slice %arg6[%dma_start3A_183, %dma_start3A_184] : memref<8x128xi32, #tpu.memory_space<vmem>> -> memref<1x128xi32, #tpu.memory_space<vmem>>
    %dma_start3A_186 = tpu.memref_squeeze %dma_start3A_185 : memref<1x128xi32, #tpu.memory_space<vmem>> -> memref<128xi32, #tpu.memory_space<vmem>>
    %dma_start3A_187 = arith.constant 0 : i32
    %dma_start3A_188 = arith.constant 0 : i32
    %dma_start3A_189 = tpu.memref_slice %arg3[%dma_start3A_187, %dma_start3A_188] : memref<32768x128xf32, #tpu.memory_space<hbm>> -> memref<32768x128xf32, #tpu.memory_space<hbm>>
    tpu.enqueue_indirect_dma source(%dma_start3A_189 : memref<32768x128xf32, #tpu.memory_space<hbm>>) target(%arg7 : memref<128x128xf32, #tpu.memory_space<vmem>>) offsets(%dma_start3A_186 : memref<128xi32, #tpu.memory_space<vmem>>) semaphore(%arg13 : memref<!tpu.dma_semaphore, #tpu.memory_space<semaphore_mem>>)
    %dma_wait3A_190 = arith.constant 5 : i32
    %dma_wait3A_191 = arith.constant 0 : i32
    %dma_wait3A_192 = tpu.memref_slice %arg6[%dma_wait3A_190, %dma_wait3A_191] : memref<8x128xi32, #tpu.memory_space<vmem>> -> memref<1x128xi32, #tpu.memory_space<vmem>>
    %dma_wait3A_193 = tpu.memref_squeeze %dma_wait3A_192 : memref<1x128xi32, #tpu.memory_space<vmem>> -> memref<128xi32, #tpu.memory_space<vmem>>
    %dma_wait3A_194 = arith.constant 0 : i32
    %dma_wait3A_195 = arith.constant 0 : i32
    %dma_wait3A_196 = tpu.memref_slice %arg3[%dma_wait3A_194, %dma_wait3A_195] : memref<32768x128xf32, #tpu.memory_space<hbm>> -> memref<32768x128xf32, #tpu.memory_space<hbm>>
    tpu.wait_indirect_dma semaphore(%arg14 : memref<!tpu.dma_semaphore, #tpu.memory_space<semaphore_mem>>) src(%dma_wait3A_196 : memref<32768x128xf32, #tpu.memory_space<hbm>>) dst(%arg8 : memref<128x128xf32, #tpu.memory_space<vmem>>)
    %dma_wait3A_197 = arith.constant 0 : i32
    %dma_wait3A_198 = tpu.memref_slice %arg4[%add3A_136, %dma_wait3A_197] : memref<32768x64xf32, #tpu.memory_space<hbm>> -> memref<128x64xf32, #tpu.memory_space<hbm>>
    %dma_wait3A_199 = arith.constant 0 : i32
    %dma_wait3A_200 = tpu.memref_slice %arg4[%add3A_136, %dma_wait3A_199] : memref<32768x64xf32, #tpu.memory_space<hbm>> -> memref<128x64xf32, #tpu.memory_space<hbm>>
    tpu.wait_dma2 semaphore(%arg16 : memref<!tpu.dma_semaphore, #tpu.memory_space<semaphore_mem>>) src(%arg10 : memref<128x64xf32, #tpu.memory_space<vmem>>) dst(%dma_wait3A_200 : memref<128x64xf32, #tpu.memory_space<hbm>>)
    %dma_wait3A_201 = arith.constant 0 : i32
    %dma_wait3A_202 = tpu.memref_slice %arg5[%add3A_136, %dma_wait3A_201] : memref<32768x64xf32, #tpu.memory_space<hbm>> -> memref<128x64xf32, #tpu.memory_space<hbm>>
    %dma_wait3A_203 = arith.constant 0 : i32
    %dma_wait3A_204 = tpu.memref_slice %arg5[%add3A_136, %dma_wait3A_203] : memref<32768x64xf32, #tpu.memory_space<hbm>> -> memref<128x64xf32, #tpu.memory_space<hbm>>
    tpu.wait_dma2 semaphore(%arg18 : memref<!tpu.dma_semaphore, #tpu.memory_space<semaphore_mem>>) src(%arg12 : memref<128x64xf32, #tpu.memory_space<vmem>>) dst(%dma_wait3A_204 : memref<128x64xf32, #tpu.memory_space<hbm>>)
    %scan3A_205 = arith.constant 0 : i32
    %scan3A_206 = arith.constant 0 : i32
    %scan3A_207 = arith.constant 128 : i32
    %scan3A_208 = arith.addi %scan3A_206, %scan3A_207 : i32
    %scan3A_209 = arith.constant 1 : i32
    scf.for %scan3A_306 = %scan3A_206 to %scan3A_208 step %scan3A_209  : i32 {
      %get3A = arith.index_cast %scan3A_306 : i32 to index
      %get3A_307 = arith.constant 0 : index
      %get3A_308 = tpu.vector_load %arg8[%get3A, %get3A_307] {strides = array<i32>} : memref<128x128xf32, #tpu.memory_space<vmem>>, vector<1x16xf32>,
      %get3A_309 = vector.shape_cast %get3A_308 : vector<1x16xf32> to vector<16xf32>
      %swap3A = arith.index_cast %scan3A_306 : i32 to index
      %swap3A_310 = arith.constant 0 : index
      %swap3A_311 = tpu.vector_load %arg10[%swap3A, %swap3A_310] {strides = array<i32>} : memref<128x64xf32, #tpu.memory_space<vmem>>, vector<1x16xf32>,
      %swap3A_312 = vector.shape_cast %swap3A_311 : vector<1x16xf32> to vector<16xf32>
      %swap3A_313 = vector.shape_cast %get3A_309 : vector<16xf32> to vector<1x16xf32>
      tpu.vector_store %arg10[%swap3A, %swap3A_310], %swap3A_313 {strides = array<i32>} : memref<128x64xf32, #tpu.memory_space<vmem>>, vector<1x16xf32>,
      %get3A_314 = arith.index_cast %scan3A_306 : i32 to index
      %get3A_315 = arith.constant 64 : index
      %get3A_316 = tpu.vector_load %arg8[%get3A_314, %get3A_315] {strides = array<i32>} : memref<128x128xf32, #tpu.memory_space<vmem>>, vector<1x16xf32>,
      %get3A_317 = vector.shape_cast %get3A_316 : vector<1x16xf32> to vector<16xf32>
      %swap3A_318 = arith.index_cast %scan3A_306 : i32 to index
      %swap3A_319 = arith.constant 0 : index
      %swap3A_320 = tpu.vector_load %arg12[%swap3A_318, %swap3A_319] {strides = array<i32>} : memref<128x64xf32, #tpu.memory_space<vmem>>, vector<1x16xf32>,
      %swap3A_321 = vector.shape_cast %swap3A_320 : vector<1x16xf32> to vector<16xf32>
      %swap3A_322 = vector.shape_cast %get3A_317 : vector<16xf32> to vector<1x16xf32>
      tpu.vector_store %arg12[%swap3A_318, %swap3A_319], %swap3A_322 {strides = array<i32>} : memref<128x64xf32, #tpu.memory_space<vmem>>, vector<1x16xf32>,
      %get3A_323 = arith.index_cast %scan3A_306 : i32 to index
      %get3A_324 = arith.constant 16 : index
      %get3A_325 = tpu.vector_load %arg8[%get3A_323, %get3A_324] {strides = array<i32>} : memref<128x128xf32, #tpu.memory_space<vmem>>, vector<1x16xf32>,
      %get3A_326 = vector.shape_cast %get3A_325 : vector<1x16xf32> to vector<16xf32>
      %swap3A_327 = arith.index_cast %scan3A_306 : i32 to index
      %swap3A_328 = arith.constant 16 : index
      %swap3A_329 = tpu.vector_load %arg10[%swap3A_327, %swap3A_328] {strides = array<i32>} : memref<128x64xf32, #tpu.memory_space<vmem>>, vector<1x16xf32>,
      %swap3A_330 = vector.shape_cast %swap3A_329 : vector<1x16xf32> to vector<16xf32>
      %swap3A_331 = vector.shape_cast %get3A_326 : vector<16xf32> to vector<1x16xf32>
      tpu.vector_store %arg10[%swap3A_327, %swap3A_328], %swap3A_331 {strides = array<i32>} : memref<128x64xf32, #tpu.memory_space<vmem>>, vector<1x16xf32>,
      %get3A_332 = arith.index_cast %scan3A_306 : i32 to index
      %get3A_333 = arith.constant 80 : index
      %get3A_334 = tpu.vector_load %arg8[%get3A_332, %get3A_333] {strides = array<i32>} : memref<128x128xf32, #tpu.memory_space<vmem>>, vector<1x16xf32>,
      %get3A_335 = vector.shape_cast %get3A_334 : vector<1x16xf32> to vector<16xf32>
      %swap3A_336 = arith.index_cast %scan3A_306 : i32 to index
      %swap3A_337 = arith.constant 16 : index
      %swap3A_338 = tpu.vector_load %arg12[%swap3A_336, %swap3A_337] {strides = array<i32>} : memref<128x64xf32, #tpu.memory_space<vmem>>, vector<1x16xf32>,
      %swap3A_339 = vector.shape_cast %swap3A_338 : vector<1x16xf32> to vector<16xf32>
      %swap3A_340 = vector.shape_cast %get3A_335 : vector<16xf32> to vector<1x16xf32>
      tpu.vector_store %arg12[%swap3A_336, %swap3A_337], %swap3A_340 {strides = array<i32>} : memref<128x64xf32, #tpu.memory_space<vmem>>, vector<1x16xf32>,
      %get3A_341 = arith.index_cast %scan3A_306 : i32 to index
      %get3A_342 = arith.constant 32 : index
      %get3A_343 = tpu.vector_load %arg8[%get3A_341, %get3A_342] {strides = array<i32>} : memref<128x128xf32, #tpu.memory_space<vmem>>, vector<1x16xf32>,
      %get3A_344 = vector.shape_cast %get3A_343 : vector<1x16xf32> to vector<16xf32>
      %swap3A_345 = arith.index_cast %scan3A_306 : i32 to index
      %swap3A_346 = arith.constant 32 : index
      %swap3A_347 = tpu.vector_load %arg10[%swap3A_345, %swap3A_346] {strides = array<i32>} : memref<128x64xf32, #tpu.memory_space<vmem>>, vector<1x16xf32>,
      %swap3A_348 = vector.shape_cast %swap3A_347 : vector<1x16xf32> to vector<16xf32>
      %swap3A_349 = vector.shape_cast %get3A_344 : vector<16xf32> to vector<1x16xf32>
      tpu.vector_store %arg10[%swap3A_345, %swap3A_346], %swap3A_349 {strides = array<i32>} : memref<128x64xf32, #tpu.memory_space<vmem>>, vector<1x16xf32>,
      %get3A_350 = arith.index_cast %scan3A_306 : i32 to index
      %get3A_351 = arith.constant 96 : index
      %get3A_352 = tpu.vector_load %arg8[%get3A_350, %get3A_351] {strides = array<i32>} : memref<128x128xf32, #tpu.memory_space<vmem>>, vector<1x16xf32>,
      %get3A_353 = vector.shape_cast %get3A_352 : vector<1x16xf32> to vector<16xf32>
      %swap3A_354 = arith.index_cast %scan3A_306 : i32 to index
      %swap3A_355 = arith.constant 32 : index
      %swap3A_356 = tpu.vector_load %arg12[%swap3A_354, %swap3A_355] {strides = array<i32>} : memref<128x64xf32, #tpu.memory_space<vmem>>, vector<1x16xf32>,
      %swap3A_357 = vector.shape_cast %swap3A_356 : vector<1x16xf32> to vector<16xf32>
      %swap3A_358 = vector.shape_cast %get3A_353 : vector<16xf32> to vector<1x16xf32>
      tpu.vector_store %arg12[%swap3A_354, %swap3A_355], %swap3A_358 {strides = array<i32>} : memref<128x64xf32, #tpu.memory_space<vmem>>, vector<1x16xf32>,
      %get3A_359 = arith.index_cast %scan3A_306 : i32 to index
      %get3A_360 = arith.constant 48 : index
      %get3A_361 = tpu.vector_load %arg8[%get3A_359, %get3A_360] {strides = array<i32>} : memref<128x128xf32, #tpu.memory_space<vmem>>, vector<1x16xf32>,
      %get3A_362 = vector.shape_cast %get3A_361 : vector<1x16xf32> to vector<16xf32>
      %swap3A_363 = arith.index_cast %scan3A_306 : i32 to index
      %swap3A_364 = arith.constant 48 : index
      %swap3A_365 = tpu.vector_load %arg10[%swap3A_363, %swap3A_364] {strides = array<i32>} : memref<128x64xf32, #tpu.memory_space<vmem>>, vector<1x16xf32>,
      %swap3A_366 = vector.shape_cast %swap3A_365 : vector<1x16xf32> to vector<16xf32>
      %swap3A_367 = vector.shape_cast %get3A_362 : vector<16xf32> to vector<1x16xf32>
      tpu.vector_store %arg10[%swap3A_363, %swap3A_364], %swap3A_367 {strides = array<i32>} : memref<128x64xf32, #tpu.memory_space<vmem>>, vector<1x16xf32>,
      %get3A_368 = arith.index_cast %scan3A_306 : i32 to index
      %get3A_369 = arith.constant 112 : index
      %get3A_370 = tpu.vector_load %arg8[%get3A_368, %get3A_369] {strides = array<i32>} : memref<128x128xf32, #tpu.memory_space<vmem>>, vector<1x16xf32>,
      %get3A_371 = vector.shape_cast %get3A_370 : vector<1x16xf32> to vector<16xf32>
      %swap3A_372 = arith.index_cast %scan3A_306 : i32 to index
      %swap3A_373 = arith.constant 48 : index
      %swap3A_374 = tpu.vector_load %arg12[%swap3A_372, %swap3A_373] {strides = array<i32>} : memref<128x64xf32, #tpu.memory_space<vmem>>, vector<1x16xf32>,
      %swap3A_375 = vector.shape_cast %swap3A_374 : vector<1x16xf32> to vector<16xf32>
      %swap3A_376 = vector.shape_cast %get3A_371 : vector<16xf32> to vector<1x16xf32>
      tpu.vector_store %arg12[%swap3A_372, %swap3A_373], %swap3A_376 {strides = array<i32>} : memref<128x64xf32, #tpu.memory_space<vmem>>, vector<1x16xf32>,
    }
    %scan3A_210 = arith.constant 128 : i32
    %add3A_211 = arith.constant 640 : i32
    %add3A_212 = arith.addi %mul3A_4, %add3A_211 : i32
    %dma_start3A_213 = arith.constant 0 : i32
    %dma_start3A_214 = tpu.memref_slice %arg4[%add3A_212, %dma_start3A_213] : memref<32768x64xf32, #tpu.memory_space<hbm>> -> memref<128x64xf32, #tpu.memory_space<hbm>>
    %dma_start3A_215 = arith.constant 0 : i32
    %dma_start3A_216 = tpu.memref_slice %arg4[%add3A_212, %dma_start3A_215] : memref<32768x64xf32, #tpu.memory_space<hbm>> -> memref<128x64xf32, #tpu.memory_space<hbm>>
    tpu.enqueue_dma source(%arg10 : memref<128x64xf32, #tpu.memory_space<vmem>>) target(%dma_start3A_216 : memref<128x64xf32, #tpu.memory_space<hbm>>) target_semaphore(%arg16 : memref<!tpu.dma_semaphore, #tpu.memory_space<semaphore_mem>>)
    %dma_start3A_217 = arith.constant 0 : i32
    %dma_start3A_218 = tpu.memref_slice %arg5[%add3A_212, %dma_start3A_217] : memref<32768x64xf32, #tpu.memory_space<hbm>> -> memref<128x64xf32, #tpu.memory_space<hbm>>
    %dma_start3A_219 = arith.constant 0 : i32
    %dma_start3A_220 = tpu.memref_slice %arg5[%add3A_212, %dma_start3A_219] : memref<32768x64xf32, #tpu.memory_space<hbm>> -> memref<128x64xf32, #tpu.memory_space<hbm>>
    tpu.enqueue_dma source(%arg12 : memref<128x64xf32, #tpu.memory_space<vmem>>) target(%dma_start3A_220 : memref<128x64xf32, #tpu.memory_space<hbm>>) target_semaphore(%arg18 : memref<!tpu.dma_semaphore, #tpu.memory_space<semaphore_mem>>)
    %dma_start3A_221 = arith.constant 7 : i32
    %dma_start3A_222 = arith.constant 0 : i32
    %dma_start3A_223 = tpu.memref_slice %arg6[%dma_start3A_221, %dma_start3A_222] : memref<8x128xi32, #tpu.memory_space<vmem>> -> memref<1x128xi32, #tpu.memory_space<vmem>>
    %dma_start3A_224 = tpu.memref_squeeze %dma_start3A_223 : memref<1x128xi32, #tpu.memory_space<vmem>> -> memref<128xi32, #tpu.memory_space<vmem>>
    %dma_start3A_225 = arith.constant 0 : i32
    %dma_start3A_226 = arith.constant 0 : i32
    %dma_start3A_227 = tpu.memref_slice %arg3[%dma_start3A_225, %dma_start3A_226] : memref<32768x128xf32, #tpu.memory_space<hbm>> -> memref<32768x128xf32, #tpu.memory_space<hbm>>
    tpu.enqueue_indirect_dma source(%dma_start3A_227 : memref<32768x128xf32, #tpu.memory_space<hbm>>) target(%arg8 : memref<128x128xf32, #tpu.memory_space<vmem>>) offsets(%dma_start3A_224 : memref<128xi32, #tpu.memory_space<vmem>>) semaphore(%arg14 : memref<!tpu.dma_semaphore, #tpu.memory_space<semaphore_mem>>)
    %dma_wait3A_228 = arith.constant 6 : i32
    %dma_wait3A_229 = arith.constant 0 : i32
    %dma_wait3A_230 = tpu.memref_slice %arg6[%dma_wait3A_228, %dma_wait3A_229] : memref<8x128xi32, #tpu.memory_space<vmem>> -> memref<1x128xi32, #tpu.memory_space<vmem>>
    %dma_wait3A_231 = tpu.memref_squeeze %dma_wait3A_230 : memref<1x128xi32, #tpu.memory_space<vmem>> -> memref<128xi32, #tpu.memory_space<vmem>>
    %dma_wait3A_232 = arith.constant 0 : i32
    %dma_wait3A_233 = arith.constant 0 : i32
    %dma_wait3A_234 = tpu.memref_slice %arg3[%dma_wait3A_232, %dma_wait3A_233] : memref<32768x128xf32, #tpu.memory_space<hbm>> -> memref<32768x128xf32, #tpu.memory_space<hbm>>
    tpu.wait_indirect_dma semaphore(%arg13 : memref<!tpu.dma_semaphore, #tpu.memory_space<semaphore_mem>>) src(%dma_wait3A_234 : memref<32768x128xf32, #tpu.memory_space<hbm>>) dst(%arg7 : memref<128x128xf32, #tpu.memory_space<vmem>>)
    %dma_wait3A_235 = arith.constant 0 : i32
    %dma_wait3A_236 = tpu.memref_slice %arg4[%add3A_174, %dma_wait3A_235] : memref<32768x64xf32, #tpu.memory_space<hbm>> -> memref<128x64xf32, #tpu.memory_space<hbm>>
    %dma_wait3A_237 = arith.constant 0 : i32
    %dma_wait3A_238 = tpu.memref_slice %arg4[%add3A_174, %dma_wait3A_237] : memref<32768x64xf32, #tpu.memory_space<hbm>> -> memref<128x64xf32, #tpu.memory_space<hbm>>
    tpu.wait_dma2 semaphore(%arg15 : memref<!tpu.dma_semaphore, #tpu.memory_space<semaphore_mem>>) src(%arg9 : memref<128x64xf32, #tpu.memory_space<vmem>>) dst(%dma_wait3A_238 : memref<128x64xf32, #tpu.memory_space<hbm>>)
    %dma_wait3A_239 = arith.constant 0 : i32
    %dma_wait3A_240 = tpu.memref_slice %arg5[%add3A_174, %dma_wait3A_239] : memref<32768x64xf32, #tpu.memory_space<hbm>> -> memref<128x64xf32, #tpu.memory_space<hbm>>
    %dma_wait3A_241 = arith.constant 0 : i32
    %dma_wait3A_242 = tpu.memref_slice %arg5[%add3A_174, %dma_wait3A_241] : memref<32768x64xf32, #tpu.memory_space<hbm>> -> memref<128x64xf32, #tpu.memory_space<hbm>>
    tpu.wait_dma2 semaphore(%arg17 : memref<!tpu.dma_semaphore, #tpu.memory_space<semaphore_mem>>) src(%arg11 : memref<128x64xf32, #tpu.memory_space<vmem>>) dst(%dma_wait3A_242 : memref<128x64xf32, #tpu.memory_space<hbm>>)
    %scan3A_243 = arith.constant 0 : i32
    %scan3A_244 = arith.constant 0 : i32
    %scan3A_245 = arith.constant 128 : i32
    %scan3A_246 = arith.addi %scan3A_244, %scan3A_245 : i32
    %scan3A_247 = arith.constant 1 : i32
    scf.for %scan3A_306 = %scan3A_244 to %scan3A_246 step %scan3A_247  : i32 {
      %get3A = arith.index_cast %scan3A_306 : i32 to index
      %get3A_307 = arith.constant 0 : index
      %get3A_308 = tpu.vector_load %arg7[%get3A, %get3A_307] {strides = array<i32>} : memref<128x128xf32, #tpu.memory_space<vmem>>, vector<1x16xf32>,
      %get3A_309 = vector.shape_cast %get3A_308 : vector<1x16xf32> to vector<16xf32>
      %swap3A = arith.index_cast %scan3A_306 : i32 to index
      %swap3A_310 = arith.constant 0 : index
      %swap3A_311 = tpu.vector_load %arg9[%swap3A, %swap3A_310] {strides = array<i32>} : memref<128x64xf32, #tpu.memory_space<vmem>>, vector<1x16xf32>,
      %swap3A_312 = vector.shape_cast %swap3A_311 : vector<1x16xf32> to vector<16xf32>
      %swap3A_313 = vector.shape_cast %get3A_309 : vector<16xf32> to vector<1x16xf32>
      tpu.vector_store %arg9[%swap3A, %swap3A_310], %swap3A_313 {strides = array<i32>} : memref<128x64xf32, #tpu.memory_space<vmem>>, vector<1x16xf32>,
      %get3A_314 = arith.index_cast %scan3A_306 : i32 to index
      %get3A_315 = arith.constant 64 : index
      %get3A_316 = tpu.vector_load %arg7[%get3A_314, %get3A_315] {strides = array<i32>} : memref<128x128xf32, #tpu.memory_space<vmem>>, vector<1x16xf32>,
      %get3A_317 = vector.shape_cast %get3A_316 : vector<1x16xf32> to vector<16xf32>
      %swap3A_318 = arith.index_cast %scan3A_306 : i32 to index
      %swap3A_319 = arith.constant 0 : index
      %swap3A_320 = tpu.vector_load %arg11[%swap3A_318, %swap3A_319] {strides = array<i32>} : memref<128x64xf32, #tpu.memory_space<vmem>>, vector<1x16xf32>,
      %swap3A_321 = vector.shape_cast %swap3A_320 : vector<1x16xf32> to vector<16xf32>
      %swap3A_322 = vector.shape_cast %get3A_317 : vector<16xf32> to vector<1x16xf32>
      tpu.vector_store %arg11[%swap3A_318, %swap3A_319], %swap3A_322 {strides = array<i32>} : memref<128x64xf32, #tpu.memory_space<vmem>>, vector<1x16xf32>,
      %get3A_323 = arith.index_cast %scan3A_306 : i32 to index
      %get3A_324 = arith.constant 16 : index
      %get3A_325 = tpu.vector_load %arg7[%get3A_323, %get3A_324] {strides = array<i32>} : memref<128x128xf32, #tpu.memory_space<vmem>>, vector<1x16xf32>,
      %get3A_326 = vector.shape_cast %get3A_325 : vector<1x16xf32> to vector<16xf32>
      %swap3A_327 = arith.index_cast %scan3A_306 : i32 to index
      %swap3A_328 = arith.constant 16 : index
      %swap3A_329 = tpu.vector_load %arg9[%swap3A_327, %swap3A_328] {strides = array<i32>} : memref<128x64xf32, #tpu.memory_space<vmem>>, vector<1x16xf32>,
      %swap3A_330 = vector.shape_cast %swap3A_329 : vector<1x16xf32> to vector<16xf32>
      %swap3A_331 = vector.shape_cast %get3A_326 : vector<16xf32> to vector<1x16xf32>
      tpu.vector_store %arg9[%swap3A_327, %swap3A_328], %swap3A_331 {strides = array<i32>} : memref<128x64xf32, #tpu.memory_space<vmem>>, vector<1x16xf32>,
      %get3A_332 = arith.index_cast %scan3A_306 : i32 to index
      %get3A_333 = arith.constant 80 : index
      %get3A_334 = tpu.vector_load %arg7[%get3A_332, %get3A_333] {strides = array<i32>} : memref<128x128xf32, #tpu.memory_space<vmem>>, vector<1x16xf32>,
      %get3A_335 = vector.shape_cast %get3A_334 : vector<1x16xf32> to vector<16xf32>
      %swap3A_336 = arith.index_cast %scan3A_306 : i32 to index
      %swap3A_337 = arith.constant 16 : index
      %swap3A_338 = tpu.vector_load %arg11[%swap3A_336, %swap3A_337] {strides = array<i32>} : memref<128x64xf32, #tpu.memory_space<vmem>>, vector<1x16xf32>,
      %swap3A_339 = vector.shape_cast %swap3A_338 : vector<1x16xf32> to vector<16xf32>
      %swap3A_340 = vector.shape_cast %get3A_335 : vector<16xf32> to vector<1x16xf32>
      tpu.vector_store %arg11[%swap3A_336, %swap3A_337], %swap3A_340 {strides = array<i32>} : memref<128x64xf32, #tpu.memory_space<vmem>>, vector<1x16xf32>,
      %get3A_341 = arith.index_cast %scan3A_306 : i32 to index
      %get3A_342 = arith.constant 32 : index
      %get3A_343 = tpu.vector_load %arg7[%get3A_341, %get3A_342] {strides = array<i32>} : memref<128x128xf32, #tpu.memory_space<vmem>>, vector<1x16xf32>,
      %get3A_344 = vector.shape_cast %get3A_343 : vector<1x16xf32> to vector<16xf32>
      %swap3A_345 = arith.index_cast %scan3A_306 : i32 to index
      %swap3A_346 = arith.constant 32 : index
      %swap3A_347 = tpu.vector_load %arg9[%swap3A_345, %swap3A_346] {strides = array<i32>} : memref<128x64xf32, #tpu.memory_space<vmem>>, vector<1x16xf32>,
      %swap3A_348 = vector.shape_cast %swap3A_347 : vector<1x16xf32> to vector<16xf32>
      %swap3A_349 = vector.shape_cast %get3A_344 : vector<16xf32> to vector<1x16xf32>
      tpu.vector_store %arg9[%swap3A_345, %swap3A_346], %swap3A_349 {strides = array<i32>} : memref<128x64xf32, #tpu.memory_space<vmem>>, vector<1x16xf32>,
      %get3A_350 = arith.index_cast %scan3A_306 : i32 to index
      %get3A_351 = arith.constant 96 : index
      %get3A_352 = tpu.vector_load %arg7[%get3A_350, %get3A_351] {strides = array<i32>} : memref<128x128xf32, #tpu.memory_space<vmem>>, vector<1x16xf32>,
      %get3A_353 = vector.shape_cast %get3A_352 : vector<1x16xf32> to vector<16xf32>
      %swap3A_354 = arith.index_cast %scan3A_306 : i32 to index
      %swap3A_355 = arith.constant 32 : index
      %swap3A_356 = tpu.vector_load %arg11[%swap3A_354, %swap3A_355] {strides = array<i32>} : memref<128x64xf32, #tpu.memory_space<vmem>>, vector<1x16xf32>,
      %swap3A_357 = vector.shape_cast %swap3A_356 : vector<1x16xf32> to vector<16xf32>
      %swap3A_358 = vector.shape_cast %get3A_353 : vector<16xf32> to vector<1x16xf32>
      tpu.vector_store %arg11[%swap3A_354, %swap3A_355], %swap3A_358 {strides = array<i32>} : memref<128x64xf32, #tpu.memory_space<vmem>>, vector<1x16xf32>,
      %get3A_359 = arith.index_cast %scan3A_306 : i32 to index
      %get3A_360 = arith.constant 48 : index
      %get3A_361 = tpu.vector_load %arg7[%get3A_359, %get3A_360] {strides = array<i32>} : memref<128x128xf32, #tpu.memory_space<vmem>>, vector<1x16xf32>,
      %get3A_362 = vector.shape_cast %get3A_361 : vector<1x16xf32> to vector<16xf32>
      %swap3A_363 = arith.index_cast %scan3A_306 : i32 to index
      %swap3A_364 = arith.constant 48 : index
      %swap3A_365 = tpu.vector_load %arg9[%swap3A_363, %swap3A_364] {strides = array<i32>} : memref<128x64xf32, #tpu.memory_space<vmem>>, vector<1x16xf32>,
      %swap3A_366 = vector.shape_cast %swap3A_365 : vector<1x16xf32> to vector<16xf32>
      %swap3A_367 = vector.shape_cast %get3A_362 : vector<16xf32> to vector<1x16xf32>
      tpu.vector_store %arg9[%swap3A_363, %swap3A_364], %swap3A_367 {strides = array<i32>} : memref<128x64xf32, #tpu.memory_space<vmem>>, vector<1x16xf32>,
      %get3A_368 = arith.index_cast %scan3A_306 : i32 to index
      %get3A_369 = arith.constant 112 : index
      %get3A_370 = tpu.vector_load %arg7[%get3A_368, %get3A_369] {strides = array<i32>} : memref<128x128xf32, #tpu.memory_space<vmem>>, vector<1x16xf32>,
      %get3A_371 = vector.shape_cast %get3A_370 : vector<1x16xf32> to vector<16xf32>
      %swap3A_372 = arith.index_cast %scan3A_306 : i32 to index
      %swap3A_373 = arith.constant 48 : index
      %swap3A_374 = tpu.vector_load %arg11[%swap3A_372, %swap3A_373] {strides = array<i32>} : memref<128x64xf32, #tpu.memory_space<vmem>>, vector<1x16xf32>,
      %swap3A_375 = vector.shape_cast %swap3A_374 : vector<1x16xf32> to vector<16xf32>
      %swap3A_376 = vector.shape_cast %get3A_371 : vector<16xf32> to vector<1x16xf32>
      tpu.vector_store %arg11[%swap3A_372, %swap3A_373], %swap3A_376 {strides = array<i32>} : memref<128x64xf32, #tpu.memory_space<vmem>>, vector<1x16xf32>,
    }
    %scan3A_248 = arith.constant 128 : i32
    %add3A_249 = arith.constant 768 : i32
    %add3A_250 = arith.addi %mul3A_4, %add3A_249 : i32
    %dma_start3A_251 = arith.constant 0 : i32
    %dma_start3A_252 = tpu.memref_slice %arg4[%add3A_250, %dma_start3A_251] : memref<32768x64xf32, #tpu.memory_space<hbm>> -> memref<128x64xf32, #tpu.memory_space<hbm>>
    %dma_start3A_253 = arith.constant 0 : i32
    %dma_start3A_254 = tpu.memref_slice %arg4[%add3A_250, %dma_start3A_253] : memref<32768x64xf32, #tpu.memory_space<hbm>> -> memref<128x64xf32, #tpu.memory_space<hbm>>
    tpu.enqueue_dma source(%arg9 : memref<128x64xf32, #tpu.memory_space<vmem>>) target(%dma_start3A_254 : memref<128x64xf32, #tpu.memory_space<hbm>>) target_semaphore(%arg15 : memref<!tpu.dma_semaphore, #tpu.memory_space<semaphore_mem>>)
    %dma_start3A_255 = arith.constant 0 : i32
    %dma_start3A_256 = tpu.memref_slice %arg5[%add3A_250, %dma_start3A_255] : memref<32768x64xf32, #tpu.memory_space<hbm>> -> memref<128x64xf32, #tpu.memory_space<hbm>>
    %dma_start3A_257 = arith.constant 0 : i32
    %dma_start3A_258 = tpu.memref_slice %arg5[%add3A_250, %dma_start3A_257] : memref<32768x64xf32, #tpu.memory_space<hbm>> -> memref<128x64xf32, #tpu.memory_space<hbm>>
    tpu.enqueue_dma source(%arg11 : memref<128x64xf32, #tpu.memory_space<vmem>>) target(%dma_start3A_258 : memref<128x64xf32, #tpu.memory_space<hbm>>) target_semaphore(%arg17 : memref<!tpu.dma_semaphore, #tpu.memory_space<semaphore_mem>>)
    %dma_wait3A_259 = arith.constant 7 : i32
    %dma_wait3A_260 = arith.constant 0 : i32
    %dma_wait3A_261 = tpu.memref_slice %arg6[%dma_wait3A_259, %dma_wait3A_260] : memref<8x128xi32, #tpu.memory_space<vmem>> -> memref<1x128xi32, #tpu.memory_space<vmem>>
    %dma_wait3A_262 = tpu.memref_squeeze %dma_wait3A_261 : memref<1x128xi32, #tpu.memory_space<vmem>> -> memref<128xi32, #tpu.memory_space<vmem>>
    %dma_wait3A_263 = arith.constant 0 : i32
    %dma_wait3A_264 = arith.constant 0 : i32
    %dma_wait3A_265 = tpu.memref_slice %arg3[%dma_wait3A_263, %dma_wait3A_264] : memref<32768x128xf32, #tpu.memory_space<hbm>> -> memref<32768x128xf32, #tpu.memory_space<hbm>>
    tpu.wait_indirect_dma semaphore(%arg14 : memref<!tpu.dma_semaphore, #tpu.memory_space<semaphore_mem>>) src(%dma_wait3A_265 : memref<32768x128xf32, #tpu.memory_space<hbm>>) dst(%arg8 : memref<128x128xf32, #tpu.memory_space<vmem>>)
    %dma_wait3A_266 = arith.constant 0 : i32
    %dma_wait3A_267 = tpu.memref_slice %arg4[%add3A_212, %dma_wait3A_266] : memref<32768x64xf32, #tpu.memory_space<hbm>> -> memref<128x64xf32, #tpu.memory_space<hbm>>
    %dma_wait3A_268 = arith.constant 0 : i32
    %dma_wait3A_269 = tpu.memref_slice %arg4[%add3A_212, %dma_wait3A_268] : memref<32768x64xf32, #tpu.memory_space<hbm>> -> memref<128x64xf32, #tpu.memory_space<hbm>>
    tpu.wait_dma2 semaphore(%arg16 : memref<!tpu.dma_semaphore, #tpu.memory_space<semaphore_mem>>) src(%arg10 : memref<128x64xf32, #tpu.memory_space<vmem>>) dst(%dma_wait3A_269 : memref<128x64xf32, #tpu.memory_space<hbm>>)
    %dma_wait3A_270 = arith.constant 0 : i32
    %dma_wait3A_271 = tpu.memref_slice %arg5[%add3A_212, %dma_wait3A_270] : memref<32768x64xf32, #tpu.memory_space<hbm>> -> memref<128x64xf32, #tpu.memory_space<hbm>>
    %dma_wait3A_272 = arith.constant 0 : i32
    %dma_wait3A_273 = tpu.memref_slice %arg5[%add3A_212, %dma_wait3A_272] : memref<32768x64xf32, #tpu.memory_space<hbm>> -> memref<128x64xf32, #tpu.memory_space<hbm>>
    tpu.wait_dma2 semaphore(%arg18 : memref<!tpu.dma_semaphore, #tpu.memory_space<semaphore_mem>>) src(%arg12 : memref<128x64xf32, #tpu.memory_space<vmem>>) dst(%dma_wait3A_273 : memref<128x64xf32, #tpu.memory_space<hbm>>)
    %scan3A_274 = arith.constant 0 : i32
    %scan3A_275 = arith.constant 0 : i32
    %scan3A_276 = arith.constant 128 : i32
    %scan3A_277 = arith.addi %scan3A_275, %scan3A_276 : i32
    %scan3A_278 = arith.constant 1 : i32
    scf.for %scan3A_306 = %scan3A_275 to %scan3A_277 step %scan3A_278  : i32 {
      %get3A = arith.index_cast %scan3A_306 : i32 to index
      %get3A_307 = arith.constant 0 : index
      %get3A_308 = tpu.vector_load %arg8[%get3A, %get3A_307] {strides = array<i32>} : memref<128x128xf32, #tpu.memory_space<vmem>>, vector<1x16xf32>,
      %get3A_309 = vector.shape_cast %get3A_308 : vector<1x16xf32> to vector<16xf32>
      %swap3A = arith.index_cast %scan3A_306 : i32 to index
      %swap3A_310 = arith.constant 0 : index
      %swap3A_311 = tpu.vector_load %arg10[%swap3A, %swap3A_310] {strides = array<i32>} : memref<128x64xf32, #tpu.memory_space<vmem>>, vector<1x16xf32>,
      %swap3A_312 = vector.shape_cast %swap3A_311 : vector<1x16xf32> to vector<16xf32>
      %swap3A_313 = vector.shape_cast %get3A_309 : vector<16xf32> to vector<1x16xf32>
      tpu.vector_store %arg10[%swap3A, %swap3A_310], %swap3A_313 {strides = array<i32>} : memref<128x64xf32, #tpu.memory_space<vmem>>, vector<1x16xf32>,
      %get3A_314 = arith.index_cast %scan3A_306 : i32 to index
      %get3A_315 = arith.constant 64 : index
      %get3A_316 = tpu.vector_load %arg8[%get3A_314, %get3A_315] {strides = array<i32>} : memref<128x128xf32, #tpu.memory_space<vmem>>, vector<1x16xf32>,
      %get3A_317 = vector.shape_cast %get3A_316 : vector<1x16xf32> to vector<16xf32>
      %swap3A_318 = arith.index_cast %scan3A_306 : i32 to index
      %swap3A_319 = arith.constant 0 : index
      %swap3A_320 = tpu.vector_load %arg12[%swap3A_318, %swap3A_319] {strides = array<i32>} : memref<128x64xf32, #tpu.memory_space<vmem>>, vector<1x16xf32>,
      %swap3A_321 = vector.shape_cast %swap3A_320 : vector<1x16xf32> to vector<16xf32>
      %swap3A_322 = vector.shape_cast %get3A_317 : vector<16xf32> to vector<1x16xf32>
      tpu.vector_store %arg12[%swap3A_318, %swap3A_319], %swap3A_322 {strides = array<i32>} : memref<128x64xf32, #tpu.memory_space<vmem>>, vector<1x16xf32>,
      %get3A_323 = arith.index_cast %scan3A_306 : i32 to index
      %get3A_324 = arith.constant 16 : index
      %get3A_325 = tpu.vector_load %arg8[%get3A_323, %get3A_324] {strides = array<i32>} : memref<128x128xf32, #tpu.memory_space<vmem>>, vector<1x16xf32>,
      %get3A_326 = vector.shape_cast %get3A_325 : vector<1x16xf32> to vector<16xf32>
      %swap3A_327 = arith.index_cast %scan3A_306 : i32 to index
      %swap3A_328 = arith.constant 16 : index
      %swap3A_329 = tpu.vector_load %arg10[%swap3A_327, %swap3A_328] {strides = array<i32>} : memref<128x64xf32, #tpu.memory_space<vmem>>, vector<1x16xf32>,
      %swap3A_330 = vector.shape_cast %swap3A_329 : vector<1x16xf32> to vector<16xf32>
      %swap3A_331 = vector.shape_cast %get3A_326 : vector<16xf32> to vector<1x16xf32>
      tpu.vector_store %arg10[%swap3A_327, %swap3A_328], %swap3A_331 {strides = array<i32>} : memref<128x64xf32, #tpu.memory_space<vmem>>, vector<1x16xf32>,
      %get3A_332 = arith.index_cast %scan3A_306 : i32 to index
      %get3A_333 = arith.constant 80 : index
      %get3A_334 = tpu.vector_load %arg8[%get3A_332, %get3A_333] {strides = array<i32>} : memref<128x128xf32, #tpu.memory_space<vmem>>, vector<1x16xf32>,
      %get3A_335 = vector.shape_cast %get3A_334 : vector<1x16xf32> to vector<16xf32>
      %swap3A_336 = arith.index_cast %scan3A_306 : i32 to index
      %swap3A_337 = arith.constant 16 : index
      %swap3A_338 = tpu.vector_load %arg12[%swap3A_336, %swap3A_337] {strides = array<i32>} : memref<128x64xf32, #tpu.memory_space<vmem>>, vector<1x16xf32>,
      %swap3A_339 = vector.shape_cast %swap3A_338 : vector<1x16xf32> to vector<16xf32>
      %swap3A_340 = vector.shape_cast %get3A_335 : vector<16xf32> to vector<1x16xf32>
      tpu.vector_store %arg12[%swap3A_336, %swap3A_337], %swap3A_340 {strides = array<i32>} : memref<128x64xf32, #tpu.memory_space<vmem>>, vector<1x16xf32>,
      %get3A_341 = arith.index_cast %scan3A_306 : i32 to index
      %get3A_342 = arith.constant 32 : index
      %get3A_343 = tpu.vector_load %arg8[%get3A_341, %get3A_342] {strides = array<i32>} : memref<128x128xf32, #tpu.memory_space<vmem>>, vector<1x16xf32>,
      %get3A_344 = vector.shape_cast %get3A_343 : vector<1x16xf32> to vector<16xf32>
      %swap3A_345 = arith.index_cast %scan3A_306 : i32 to index
      %swap3A_346 = arith.constant 32 : index
      %swap3A_347 = tpu.vector_load %arg10[%swap3A_345, %swap3A_346] {strides = array<i32>} : memref<128x64xf32, #tpu.memory_space<vmem>>, vector<1x16xf32>,
      %swap3A_348 = vector.shape_cast %swap3A_347 : vector<1x16xf32> to vector<16xf32>
      %swap3A_349 = vector.shape_cast %get3A_344 : vector<16xf32> to vector<1x16xf32>
      tpu.vector_store %arg10[%swap3A_345, %swap3A_346], %swap3A_349 {strides = array<i32>} : memref<128x64xf32, #tpu.memory_space<vmem>>, vector<1x16xf32>,
      %get3A_350 = arith.index_cast %scan3A_306 : i32 to index
      %get3A_351 = arith.constant 96 : index
      %get3A_352 = tpu.vector_load %arg8[%get3A_350, %get3A_351] {strides = array<i32>} : memref<128x128xf32, #tpu.memory_space<vmem>>, vector<1x16xf32>,
      %get3A_353 = vector.shape_cast %get3A_352 : vector<1x16xf32> to vector<16xf32>
      %swap3A_354 = arith.index_cast %scan3A_306 : i32 to index
      %swap3A_355 = arith.constant 32 : index
      %swap3A_356 = tpu.vector_load %arg12[%swap3A_354, %swap3A_355] {strides = array<i32>} : memref<128x64xf32, #tpu.memory_space<vmem>>, vector<1x16xf32>,
      %swap3A_357 = vector.shape_cast %swap3A_356 : vector<1x16xf32> to vector<16xf32>
      %swap3A_358 = vector.shape_cast %get3A_353 : vector<16xf32> to vector<1x16xf32>
      tpu.vector_store %arg12[%swap3A_354, %swap3A_355], %swap3A_358 {strides = array<i32>} : memref<128x64xf32, #tpu.memory_space<vmem>>, vector<1x16xf32>,
      %get3A_359 = arith.index_cast %scan3A_306 : i32 to index
      %get3A_360 = arith.constant 48 : index
      %get3A_361 = tpu.vector_load %arg8[%get3A_359, %get3A_360] {strides = array<i32>} : memref<128x128xf32, #tpu.memory_space<vmem>>, vector<1x16xf32>,
      %get3A_362 = vector.shape_cast %get3A_361 : vector<1x16xf32> to vector<16xf32>
      %swap3A_363 = arith.index_cast %scan3A_306 : i32 to index
      %swap3A_364 = arith.constant 48 : index
      %swap3A_365 = tpu.vector_load %arg10[%swap3A_363, %swap3A_364] {strides = array<i32>} : memref<128x64xf32, #tpu.memory_space<vmem>>, vector<1x16xf32>,
      %swap3A_366 = vector.shape_cast %swap3A_365 : vector<1x16xf32> to vector<16xf32>
      %swap3A_367 = vector.shape_cast %get3A_362 : vector<16xf32> to vector<1x16xf32>
      tpu.vector_store %arg10[%swap3A_363, %swap3A_364], %swap3A_367 {strides = array<i32>} : memref<128x64xf32, #tpu.memory_space<vmem>>, vector<1x16xf32>,
      %get3A_368 = arith.index_cast %scan3A_306 : i32 to index
      %get3A_369 = arith.constant 112 : index
      %get3A_370 = tpu.vector_load %arg8[%get3A_368, %get3A_369] {strides = array<i32>} : memref<128x128xf32, #tpu.memory_space<vmem>>, vector<1x16xf32>,
      %get3A_371 = vector.shape_cast %get3A_370 : vector<1x16xf32> to vector<16xf32>
      %swap3A_372 = arith.index_cast %scan3A_306 : i32 to index
      %swap3A_373 = arith.constant 48 : index
      %swap3A_374 = tpu.vector_load %arg12[%swap3A_372, %swap3A_373] {strides = array<i32>} : memref<128x64xf32, #tpu.memory_space<vmem>>, vector<1x16xf32>,
      %swap3A_375 = vector.shape_cast %swap3A_374 : vector<1x16xf32> to vector<16xf32>
      %swap3A_376 = vector.shape_cast %get3A_371 : vector<16xf32> to vector<1x16xf32>
      tpu.vector_store %arg12[%swap3A_372, %swap3A_373], %swap3A_376 {strides = array<i32>} : memref<128x64xf32, #tpu.memory_space<vmem>>, vector<1x16xf32>,
    }
    %scan3A_279 = arith.constant 128 : i32
    %add3A_280 = arith.constant 896 : i32
    %add3A_281 = arith.addi %mul3A_4, %add3A_280 : i32
    %dma_start3A_282 = arith.constant 0 : i32
    %dma_start3A_283 = tpu.memref_slice %arg4[%add3A_281, %dma_start3A_282] : memref<32768x64xf32, #tpu.memory_space<hbm>> -> memref<128x64xf32, #tpu.memory_space<hbm>>
    %dma_start3A_284 = arith.constant 0 : i32
    %dma_start3A_285 = tpu.memref_slice %arg4[%add3A_281, %dma_start3A_284] : memref<32768x64xf32, #tpu.memory_space<hbm>> -> memref<128x64xf32, #tpu.memory_space<hbm>>
    tpu.enqueue_dma source(%arg10 : memref<128x64xf32, #tpu.memory_space<vmem>>) target(%dma_start3A_285 : memref<128x64xf32, #tpu.memory_space<hbm>>) target_semaphore(%arg16 : memref<!tpu.dma_semaphore, #tpu.memory_space<semaphore_mem>>)
    %dma_start3A_286 = arith.constant 0 : i32
    %dma_start3A_287 = tpu.memref_slice %arg5[%add3A_281, %dma_start3A_286] : memref<32768x64xf32, #tpu.memory_space<hbm>> -> memref<128x64xf32, #tpu.memory_space<hbm>>
    %dma_start3A_288 = arith.constant 0 : i32
    %dma_start3A_289 = tpu.memref_slice %arg5[%add3A_281, %dma_start3A_288] : memref<32768x64xf32, #tpu.memory_space<hbm>> -> memref<128x64xf32, #tpu.memory_space<hbm>>
    tpu.enqueue_dma source(%arg12 : memref<128x64xf32, #tpu.memory_space<vmem>>) target(%dma_start3A_289 : memref<128x64xf32, #tpu.memory_space<hbm>>) target_semaphore(%arg18 : memref<!tpu.dma_semaphore, #tpu.memory_space<semaphore_mem>>)
    %dma_wait3A_290 = arith.constant 0 : i32
    %dma_wait3A_291 = tpu.memref_slice %arg4[%add3A_250, %dma_wait3A_290] : memref<32768x64xf32, #tpu.memory_space<hbm>> -> memref<128x64xf32, #tpu.memory_space<hbm>>
    %dma_wait3A_292 = arith.constant 0 : i32
    %dma_wait3A_293 = tpu.memref_slice %arg4[%add3A_250, %dma_wait3A_292] : memref<32768x64xf32, #tpu.memory_space<hbm>> -> memref<128x64xf32, #tpu.memory_space<hbm>>
    tpu.wait_dma2 semaphore(%arg15 : memref<!tpu.dma_semaphore, #tpu.memory_space<semaphore_mem>>) src(%arg9 : memref<128x64xf32, #tpu.memory_space<vmem>>) dst(%dma_wait3A_293 : memref<128x64xf32, #tpu.memory_space<hbm>>)
    %dma_wait3A_294 = arith.constant 0 : i32
    %dma_wait3A_295 = tpu.memref_slice %arg5[%add3A_250, %dma_wait3A_294] : memref<32768x64xf32, #tpu.memory_space<hbm>> -> memref<128x64xf32, #tpu.memory_space<hbm>>
    %dma_wait3A_296 = arith.constant 0 : i32
    %dma_wait3A_297 = tpu.memref_slice %arg5[%add3A_250, %dma_wait3A_296] : memref<32768x64xf32, #tpu.memory_space<hbm>> -> memref<128x64xf32, #tpu.memory_space<hbm>>
    tpu.wait_dma2 semaphore(%arg17 : memref<!tpu.dma_semaphore, #tpu.memory_space<semaphore_mem>>) src(%arg11 : memref<128x64xf32, #tpu.memory_space<vmem>>) dst(%dma_wait3A_297 : memref<128x64xf32, #tpu.memory_space<hbm>>)
    %dma_wait3A_298 = arith.constant 0 : i32
    %dma_wait3A_299 = tpu.memref_slice %arg4[%add3A_281, %dma_wait3A_298] : memref<32768x64xf32, #tpu.memory_space<hbm>> -> memref<128x64xf32, #tpu.memory_space<hbm>>
    %dma_wait3A_300 = arith.constant 0 : i32
    %dma_wait3A_301 = tpu.memref_slice %arg4[%add3A_281, %dma_wait3A_300] : memref<32768x64xf32, #tpu.memory_space<hbm>> -> memref<128x64xf32, #tpu.memory_space<hbm>>
    tpu.wait_dma2 semaphore(%arg16 : memref<!tpu.dma_semaphore, #tpu.memory_space<semaphore_mem>>) src(%arg10 : memref<128x64xf32, #tpu.memory_space<vmem>>) dst(%dma_wait3A_301 : memref<128x64xf32, #tpu.memory_space<hbm>>)
    %dma_wait3A_302 = arith.constant 0 : i32
    %dma_wait3A_303 = tpu.memref_slice %arg5[%add3A_281, %dma_wait3A_302] : memref<32768x64xf32, #tpu.memory_space<hbm>> -> memref<128x64xf32, #tpu.memory_space<hbm>>
    %dma_wait3A_304 = arith.constant 0 : i32
    %dma_wait3A_305 = tpu.memref_slice %arg5[%add3A_281, %dma_wait3A_304] : memref<32768x64xf32, #tpu.memory_space<hbm>> -> memref<128x64xf32, #tpu.memory_space<hbm>>
    tpu.wait_dma2 semaphore(%arg18 : memref<!tpu.dma_semaphore, #tpu.memory_space<semaphore_mem>>) src(%arg12 : memref<128x64xf32, #tpu.memory_space<vmem>>) dst(%dma_wait3A_305 : memref<128x64xf32, #tpu.memory_space<hbm>>)
    return
  }
}

</mosaic_0001>

<sc_bundles>
// kernel: _rope_gather.3.cloned.1.call-start
scs
__scs_entry_jumppad:
0x0: {  	(pc) =	sbr.rel $0x88, $3  }
0x1: {  	(tag) =	ssettag $0x0;
	lr =	simm.s32 $0x1  }
0x2: {  	[smem:$0x3F9F] =	sst lr;
	_ =	strace $0xD0000000  }
0x3: {  	_ = 	snop  }
0x4: {  	_ = 	snop  }
0x5: {  	_ = 	snop  }
0x6: {  	_ = 	snop  }
0x7: {  	_ = 	snop  }
__scs_overlays_trampoline_lowered:
0x8: {  	[smem:$0x3FAE] =	sst s0  }
0x9: {  	[smem:$0x3FAF] =	sst s1  }
0xa: {  	[smem:$0x3FB0] =	sst s2  }
0xb: {  	[smem:$0x3FB1] =	sst s3  }
0xc: {  	[smem:$0x3FB2] =	sst s4  }
0xd: {  	[smem:$0x3FB3] =	sst s5  }
0xe: {  	[smem:$0x3FB4] =	sst s6  }
0xf: {  	[smem:$0x3FB5] =	sst s7  }
0x10: {  	[smem:$0x3FB6] =	sst s8  }
0x11: {  	[smem:$0x3FB7] =	sst s9;
	s0 =	simm.s32 @!p0 $0x0  }
0x12: {  	s1 =	sld [smem:$0x3F9D];
	s0 =	simm.s32 @p0 $0x1  }
0x13: {  	[smem:$0x3FB8] =	sst s0;
	s0 =	simm.s32 @!p1 $0x0  }
0x14: {  	s2 =	sld [smem:$0x3F9C];
	s0 =	simm.s32 @p1 $0x1  }
0x15: {  	[smem:$0x3FB9] =	sst s0;
	s0 =	simm.s32 @!p2 $0x0  }
0x16: {  	s3 =	sld [smem:$0x3FDB];
	s0 =	simm.s32 @p2 $0x1  }
0x17: {  	s4 =	simm.s32 $0x1BF5;
	[smem:$0x3FBB] =	sst s0  }
0x18: {  	s0 =	sld [smem:$0x3F9E];
	_ =	swait.ge [sflag:s4], $0x0  }
0x19: {  	s7 =	sld [smem:$0x3F9F]  }
0x1a: {  	s8 =	sadd.s32 $0xFFFFE003, lr  }
0x1b: {  	s9 =	sadd.s32 $0xFFFFFEF7, lr;
	s5 =	simm.s32 $0xFFFFFFFF;
	p2 =	slt.u32 s8, $0xFFFFF086  }
0x1c: {  	p1 =	slt.u32 s9, $0xF7A;
	s5 =	simm.s32 @!p2 $0x0  }
0x1d: {  	s5 =	simm.s32 @p1 $0x1;
	p0 =	seq.s32 s7, s2  }
0x1e: {  	s7 =	smul.u32 @!p0 $0xF7A, s2;
	p2 =	seq.s32 @!p0 s5, $0x0  }
0x1f: {  	s9 =	smul.u32 $0xF7A, s1;
	s8 =	simm.s32 @!p0 $0x1BF5;
	p2 =	por !p2, p0  }
0x20: {  	[sflag:s8] =	ssyncset.s32 @!p0 $0xFFFFF086;
	s6 =	sadd.s32 @!p0 s3, s7;
	s7 =	simm.s32 @!p0 $0x108  }
0x21: {  	s3 =	sadd.s32 s3, s9;
	s6 =	sadd.s32 @!p0 $0x88, s6;
	s7 =	simm.s32 @p2 $0x1082  }
0x22: {  	[simem:s7], [sflag:s8] =	dma.local @!p0 [hbm:s6], $0xF7A  }
0x23: {  	s9 =	sor.u32 $0xD0000000, s2;
	s6 =	simm.s32 $0x108;
	_ =	swait.ge @!p0 [sflag:s8], $0x0  }
0x24: {  	s3 =	sadd.s32 $0x88, s3;
	s6 =	simm.s32 @!p1 $0x1082;
	[sflag:s4] =	ssyncset.s32 $0xFFFFF086  }
0x25: {  	[simem:s6], [sflag:s4] =	dma.local [hbm:s3], $0xF7A  }
0x26: {  	[smem:$0x3F9F] =	sst s1;
	(tag) =	ssettag s2;
	_ =	strace s9  }
0x27: {  	s1 =	sld [smem:$0x3FAF]  }
0x28: {  	s2 =	sld [smem:$0x3FB0]  }
0x29: {  	s4 =	sld [smem:$0x3FB2]  }
0x2a: {  	p0 =	seq.s32 s5, $0x0;
	s5 =	sld [smem:$0x3FB3]  }
0x2b: {  	s6 =	sld [smem:$0x3FB4]  }
0x2c: {  	s7 =	sld [smem:$0x3FB5]  }
0x2d: {  	s3 =	simm.s32 $0x108;
	s8 =	sld [smem:$0x3FB6]  }
0x2e: {  	s3 =	simm.s32 @!p0 $0x1082;
	s9 =	sld [smem:$0x3FB7]  }
0x2f: {  	lr =	sadd.s32 s0, s3;
	s0 =	sld [smem:$0x3FAE]  }
0x30: {  	s3 =	sld [smem:$0x3FB1]  }
0x31: {  	[smem:$0x3FBA] =	sst s10  }
0x32: {  	s10 =	sld [smem:$0x3FB8];
	_ =	sdelay $0x3  }
0x33: {  	p0 =	seq.s32 s10, $0x1;
	s10 =	sld [smem:$0x3FBA];
	_ =	sdelay $0x3  }
0x34: {  	[smem:$0x3FBA] =	sst s10  }
0x35: {  	s10 =	sld [smem:$0x3FB9];
	_ =	sdelay $0x3  }
0x36: {  	p1 =	seq.s32 s10, $0x1;
	s10 =	sld [smem:$0x3FBA];
	_ =	sdelay $0x3  }
0x37: {  	[smem:$0x3FBA] =	sst s10  }
0x38: {  	s10 =	sld [smem:$0x3FBB]  }
0x39: {  	_ = 	snop;
	(pc) =	sbr.ind lr, $3  }
0x3a: {  	_ = 	snop  }
0x3b: {  	_ = 	snop  }
0x3c: {  	p2 =	seq.s32 s10, $0x1;
	s10 =	sld [smem:$0x3FBA]  }
0x3d: {  	_ =	shalt  }
0x3e: {  	_ =	shalt  }
0x3f: {  	_ =	shalt  }
0x40: {  	_ =	shalt  }
0x41: {  	_ =	shalt  }
0x42: {  	_ =	shalt  }
0x43: {  	_ =	shalt  }
0x44: {  	_ =	shalt  }
0x45: {  	_ =	shalt  }
0x46: {  	_ =	shalt  }
0x47: {  	_ =	shalt  }
0x48: {  	_ =	shalt  }
0x49: {  	_ =	shalt  }
0x4a: {  	_ =	shalt  }
0x4b: {  	_ =	shalt  }
0x4c: {  	_ =	shalt  }
0x4d: {  	_ =	shalt  }
0x4e: {  	_ =	shalt  }
0x4f: {  	_ =	shalt  }
0x50: {  	_ =	shalt  }
0x51: {  	_ =	shalt  }
0x52: {  	_ =	shalt  }
0x53: {  	_ =	shalt  }
0x54: {  	_ =	shalt  }
0x55: {  	_ =	shalt  }
0x56: {  	_ =	shalt  }
0x57: {  	_ =	shalt  }
0x58: {  	_ =	shalt  }
0x59: {  	_ =	shalt  }
0x5a: {  	_ =	shalt  }
0x5b: {  	_ =	shalt  }
0x5c: {  	_ =	shalt  }
0x5d: {  	_ =	shalt  }
0x5e: {  	_ =	shalt  }
0x5f: {  	_ =	shalt  }
0x60: {  	_ =	shalt  }
0x61: {  	_ =	shalt  }
0x62: {  	_ =	shalt  }
0x63: {  	_ =	shalt  }
0x64: {  	_ =	shalt  }
0x65: {  	_ =	shalt  }
0x66: {  	_ =	shalt  }
0x67: {  	_ =	shalt  }
0x68: {  	_ =	shalt  }
0x69: {  	_ =	shalt  }
0x6a: {  	_ =	shalt  }
0x6b: {  	_ =	shalt  }
0x6c: {  	_ =	shalt  }
0x6d: {  	_ =	shalt  }
0x6e: {  	_ =	shalt  }
0x6f: {  	_ =	shalt  }
0x70: {  	_ =	shalt  }
0x71: {  	_ =	shalt  }
0x72: {  	_ =	shalt  }
0x73: {  	_ =	shalt  }
0x74: {  	_ =	shalt  }
0x75: {  	_ =	shalt  }
0x76: {  	_ =	shalt  }
0x77: {  	_ =	shalt  }
0x78: {  	_ =	shalt  }
0x79: {  	_ =	shalt  }
0x7a: {  	_ =	shalt  }
0x7b: {  	_ =	shalt  }
0x7c: {  	_ =	shalt  }
0x7d: {  	_ =	shalt  }
0x7e: {  	_ =	shalt  }
0x7f: {  	_ =	shalt  }
0x80: {  	_ =	shalt  }
0x81: {  	_ =	shalt  }
0x82: {  	_ =	shalt  }
0x83: {  	_ =	shalt  }
0x84: {  	_ =	shalt  }
0x85: {  	_ =	shalt  }
0x86: {  	_ =	shalt  }
0x87: {  	_ =	shalt  }
.Lfunc_end0:
.L_simem_size_0:
called_computation_lowered:
.L_overlay_start_0:
0x88: {  	s2 =	sld [smem:$0x3FD9]  }
0x89: {  	s3 =	sld [smem:$0x3FFE];
	_ =	sdelay $0x1  }
0x8a: {  	s1 =	srdreg.scid  }
0x8b: {  	s0 =	sand.u32 $0x1, s1  }
0x8c: {  	s17 =	sshll.u32 s0, $0xA;
	s2 =	sadd.s32 s3, s2  }
0x8d: {  	s2 =	sadd.s32 s2, s17  }
0x8e: {  	[smem:$0x3FC6] =	sst s2  }
0x8f: {  	_ = 	snop  }
0x90: {  	s2 =	sld [smem:$0x3FC9]  }
0x91: {  	s18 =	sld [smem:$0x3FC8];
	(tm) =	ssettm $0x1  }
0x92: {  	s4 =	sld [smem:$0x3FFB];
	_ =	sdelay $0x3  }
0x93: {  	_ =	strace s4  }
0x94: {  	s4 =	sld [smem:$0x3FFC];
	_ =	sdelay $0x3  }
0x95: {  	_ =	strace s4  }
0x96: {  	s4 =	sld [smem:$0x3FFD];
	_ =	sdelay $0x3  }
0x97: {  	_ =	strace s4  }
0x98: {  	_ =	strace $0x8FFFFFFF  }
0x99: {  	s19 =	sld [smem:$0x3FDB];
	_ =	sdelay $0x1  }
0x9a: {  	s5 =	simm.s32 $_scs_section_size  }
0x9b: {  	s6 =	simm.s32 $_size__tile_overlayer_lowered;
	s7 =	simm.s32 $_tile_overlayer_lowered  }
0x9c: {  	s22 =	simm.s32 $0x1BFF;
	s21 =	sshll.u32 s7, $0x1;
	s4 =	sadd.s32 s5, s19  }
0x9d: {  	s8 =	simm.s32 $0x0;
	s20 =	sshll.u32 s6, $0x1;
	s6 =	sadd.s32 s21, s4  }
0x9e: {  	[timem:s8], [sflag:s22] =	dma.local [hbm:s6], s20  }
0x9f: {  	_ =	swait.ge [sflag:s22], s20  }
0xa0: {  	s5 =	ssub.s32 $0x0, s20;
	[sflag:s22] =	ssyncset.done $0x0  }
0xa1: {  	[sflag:s22] =	ssyncadd.s32 s5;
	_ =	sdelay $0x1  }
0xa2: {  	s23 =	simm.s32 $0x1B8B  }
0xa3: {  	_ =	swait.ge [sflag:s23], $0x1  }
0xa4: {  	[sflag:s23] =	ssyncset.done $0x0  }
0xa5: {  	s25 =	simm.s32 $0x1B8E;
	s24 =	sld [smem:$0x3FFE];
	[sflag:s23] =	ssyncadd.s32 $0xFFFFFFFF  }
0xa6: {  	s26 =	simm.s32 $execute0_lowered;
	[smem:$0x3FD2] =	sst s25  }
0xa7: {  	s6 =	sshll.u32 s26, $0x1;
	_ =	strace $0x80000046;
	[dreg:$0x1] =	wrdreg $0xFFFFFFFF  }
0xa8: {  	s28 =	simm.s32 $_size_execute0_lowered;
	s4 =	sadd.s32 s4, s6;
	[dreg:$0x0] =	wrdreg $0x0  }
0xa9: {  	s6 =	sshll.u32 s28, $0x1;
	[dreg:$0x2] =	wrdreg s4  }
0xaa: {  	[dreg:$0x3] =	wrdreg s6  }
0xab: {  	[dreg:$0x4] =	wrdreg $0xC0  }
0xac: {  	_ =	task [dreg:s8], $0x5FFFF  }
0xad: {  	[dreg:$0x1] =	wrdreg $0xFFFFFFFF  }
0xae: {  	[dreg:$0x0] =	wrdreg $0x60  }
0xaf: {  	[dreg:$0x2] =	wrdreg s2  }
0xb0: {  	[dreg:$0x3] =	wrdreg s18  }
0xb1: {  	[dreg:$0x4] =	wrdreg s24  }
0xb2: {  	[dreg:$0x5] =	wrdreg $0x9  }
0xb3: {  	_ =	task.clear_ibuf [dreg:s8], $0x6FFFF;
	_ =	strace $0x90000046  }
0xb4: {  	s29 =	simm.s32 $0x9;
	_ =	strace $0x80000048  }
0xb5: {  	_ =	swait.ge [sflag:s29], $0x1  }
0xb6: {  	[sflag:s29] =	ssyncadd.s32 $0xFFFFFFFF  }
0xb7: {  	_ =	strace $0x90000048  }
0xb8: {  	_ =	sfence  }
0xb9: {  	s30 =	sld [smem:$0x0];
	_ =	sdelay $0x2  }
0xba: {  	s31 =	sshll.u32 s1, $0xD;
	s1 =	sshrl.u32 s1, $0x2  }
0xbb: {  	s3 =	sand.u32 $0x4000, s31;
	s1 =	sadd.s32 s1, s30  }
0xbc: {  	s0 =	sor.u32 s3, s0;
	s1 =	sshll.u32 s1, $0x11  }
0xbd: {  	s0 =	sor.u32 s1, s0  }
0xbe: {  	s0 =	sadd.s32 $0x8F2B, s0  }
0xbf: {  	[sflag:s0] =	ssyncadd.remote.s32 $0x1  }
0xc0: {  	_ =	sfence.sel $0xFFFF  }
0xc1: {  	[dreg:$0x0] =	wrdreg $0xFFFFFFFF;
	(pc) =	sbr.abs _section_cstart, $3  }
0xc2: {  	[dreg:$0x1] =	wrdreg $0xFFFFFFFF  }
0xc3: {  	_ =	task.clear_ibuf [dreg:s8], $0x2FFFF;
	_ =	strace $0x9FFFFFFF  }
0xc4: {  	(tm) =	ssettm $0x7FFFFFFF  }
0xc5: {  	_ =	shalt  }
tec
execute0_lowered:
.L_overlay_start_1:
0x0: {  	(tag) =	ssettag $0x1  }
0x1: {  	s0 =	rddreg [dreg:$0x0]  }
0x2: {  	s1 =	rddreg [dreg:$0x1]  }
0x3: {  	s2 =	rddreg [dreg:$0x2];
	s3 =	simm.s32 $0x0;
	s4 =	srdreg.scid  }
0x4: {  	s5 =	stileid.u32;
	s28 =	simm.s32 $0x8400;
	s29 =	simm.s32 $0x10400  }
0x5: {  	s31 =	simm.s32 $0x2;
	s30 =	simm.s32 $0x3;
	[smem:$0x7FF] =	sst s3  }
0x6: {  	s4 =	sand.u32 $0x1, s4;
	s5 =	sshll.u32 s5, $0x1;
	s6 =	sadd.s32 $0xA00, s2  }
0x7: {  	s2 =	sadd.s32 $0x80A00, s2;
	s7 =	ssub.s32 $0x2, s4;
	s4 =	sor.u32 s4, s5  }
0x8: {  	_ =	strace $0x80000047;
	s9 =	sshrl.u32 s7, $0x1;
	s8 =	sshll.u32 s4, $0x7  }
0x9: {  	s10 =	sshll.u32 s4, $0xE;
	s5 =	ssub.s32 s7, s9;
	s0 =	sadd.s32 s0, s8  }
0xa: {  	s4 =	sadd.s32 s6, s10;
	s18 =	sadd.s32 s2, s10;
	s19 =	sor.u32 $0x800, s10  }
0xb: {  	s21 =	sor.u32 $0x1000, s10;
	s23 =	sor.u32 $0x1800, s10;
	[dreg:$0x4] =	wrdreg s0  }
0xc: {  	s24 =	sor.u32 $0x2000, s10;
	s25 =	sor.u32 $0x2800, s10;
	[dreg:$0x5] =	wrdreg s4  }
0xd: {  	s26 =	sor.u32 $0x3000, s10;
	s7 =	simm.s32 $0x0;
	[dreg:$0x6] =	wrdreg s18  }
0xe: {  	s20 =	sadd.s32 s6, s19;
	s4 =	sadd.s32 s2, s19;
	s22 =	sadd.s32 s6, s21  }
0xf: {  	s11 =	sadd.s32 s6, s23;
	s12 =	sadd.s32 s2, s23;
	s13 =	sadd.s32 s6, s24  }
0x10: {  	s14 =	sadd.s32 s2, s24;
	s15 =	sadd.s32 s6, s25;
	s16 =	sadd.s32 s2, s25  }
0x11: {  	s17 =	sadd.s32 s6, s26;
	s18 =	sadd.s32 s2, s26;
	s0 =	sor.u32 $0x3800, s10  }
0x12: {  	s23 =	simm.s32 $0x80;
	s24 =	simm.s32 $0x400;
	[dreg:$0x7] =	wrdreg s20  }
0x13: {  	s25 =	simm.s32 $0x4400;
	s26 =	simm.s32 $0x1;
	[dreg:$0x8] =	wrdreg s4  }
0x14: {  	[dreg:$0x9] =	wrdreg s22;
	s4 =	sadd.s32 s2, s21;
	s19 =	sadd.s32 s6, s0  }
0x15: {  	s20 =	sadd.s32 s2, s0;
	s21 =	smax.u32 s5, $0x1;
	s22 =	simm.s32 $0x7  }
0x16: {  	s0 =	simm.s32 $0xC400;
	s2 =	simm.s32 $0x14400;
	s5 =	simm.s32 $0x4  }
0x17: {  	s6 =	simm.s32 $0x6;
	[dreg:$0xa] =	wrdreg s4;
	s4 =	simm.s32 $0x5  }
.LBB2_1:
0x18: {  	s8 =	rddreg [dreg:$0x4]  }
0x19: {  	[tilespmem:s3], [sflag:$0x7] =	stream.linear.gather [hbm4b:s8+s3], $0x400, $0x38;
	[tilespmem:$0x18400] =	vst v63  }
0x1a: {  	_ =	swait.ge [sflag:s22], $0x400  }
0x1b: {  	[sflag:s22] =	ssyncset.done $0x0  }
0x1c: {  	[sflag:s22] =	ssyncadd.s32 $0xFFFFFC00  }
0x1d: {  	[tilespmem:s24], [sflag:$0x1] =	stream.indirect.gather [hbm4b:s1+s23], $0x80, s3, s23, $0xb8;
	[tilespmem:$0x18400] =	vst v63  }
0x1e: {  	_ = 	snop  }
0x1f: {  	[tilespmem:s25], [sflag:$0x2] =	stream.indirect.gather [hbm4b:s1+s23], $0x80, s23, s23, $0xb8;
	[tilespmem:$0x18400] =	vst v63  }
0x20: {  	_ =	swait.ge [sflag:s26], $0x4000  }
0x21: {  	[sflag:s26] =	ssyncset.done $0x0  }
0x22: {  	s8 =	simm.s32 $0x0;
	[sflag:s26] =	ssyncadd.s32 $0xFFFFC000  }
0x23: {  	v3 =	vld [tilespmem:s8+$0x470]  }
0x24: {  	v4 =	vld [tilespmem:s8+$0x400]  }
0x25: {  	v5 =	vld [tilespmem:s8+$0x440]  }
0x26: {  	v2 =	vld [tilespmem:s8+$0x410]  }
0x27: {  	v0 =	vld [tilespmem:s8+$0x450]  }
0x28: {  	v1 =	vld [tilespmem:s8+$0x420];
	[tilespmem:s8+$0x10430] =	vst v3  }
0x29: {  	[tilespmem:s8+$0x8400] =	vst v4;
	v3 =	vld [tilespmem:s8+$0x460]  }
0x2a: {  	s9 =	simm.s32 $0x80;
	s10 =	simm.s32 $0x400;
	[tilespmem:s8+$0x10400] =	vst v5;
	v4 =	vld [tilespmem:s8+$0x430]  }
.LBB2_2:
0x2b: {  	p0 =	sne.s32 s10, $0xFE00;
	v5 =	vld [tilespmem:s9+$0x470];
	[tilespmem:s8+$0x8410] =	vst v2  }
0x2c: {  	v6 =	vld [tilespmem:s9+$0x400];
	[tilespmem:s8+$0x10410] =	vst v0  }
0x2d: {  	v7 =	vld [tilespmem:s9+$0x440];
	[tilespmem:s8+$0x8420] =	vst v1  }
.Ltmp0:
0x2e: {  	v2 =	vld [tilespmem:s9+$0x410];
	[tilespmem:s8+$0x10420] =	vst v3;
	(pc) =	sbr.rel @p0 .LBB2_2-.Ltmp0, $4  }
0x2f: {  	v0 =	vld [tilespmem:s9+$0x450];
	[tilespmem:s8+$0x8430] =	vst v4;
	s8 =	smov.u32 s9  }
0x30: {  	v1 =	vld [tilespmem:s8+$0x420];
	[tilespmem:s8+$0x10430] =	vst v5  }
0x31: {  	[tilespmem:s8+$0x8400] =	vst v6;
	v3 =	vld [tilespmem:s8+$0x460]  }
0x32: {  	s9 =	sshra.s32 s10, $0x2;
	s10 =	sadd.s32 $0x200, s10;
	[tilespmem:s8+$0x10400] =	vst v7;
	v4 =	vld [tilespmem:s8+$0x430]  }
0x33: {  	v5 =	vld [tilespmem:s9+$0x470];
	[tilespmem:s8+$0x8410] =	vst v2  }
0x34: {  	v2 =	vld [tilespmem:s9+$0x400];
	[tilespmem:s8+$0x10410] =	vst v0  }
0x35: {  	v0 =	vld [tilespmem:s9+$0x440];
	[tilespmem:s8+$0x8420] =	vst v1  }
0x36: {  	v1 =	vld [tilespmem:s9+$0x410];
	[tilespmem:s8+$0x10420] =	vst v3  }
0x37: {  	v3 =	vld [tilespmem:s9+$0x450];
	[tilespmem:s8+$0x8430] =	vst v4  }
0x38: {  	v4 =	vld [tilespmem:s9+$0x420];
	[tilespmem:s9+$0x10430] =	vst v5  }
0x39: {  	[tilespmem:s9+$0x8400] =	vst v2;
	v2 =	vld [tilespmem:s9+$0x460]  }
0x3a: {  	[tilespmem:s9+$0x10400] =	vst v0;
	v0 =	vld [tilespmem:s9+$0x430]  }
0x3b: {  	[tilespmem:s9+$0x8410] =	vst v1  }
0x3c: {  	[tilespmem:s9+$0x10410] =	vst v3  }
0x3d: {  	[tilespmem:s9+$0x8420] =	vst v4  }
0x3e: {  	[tilespmem:s9+$0x10420] =	vst v2  }
0x3f: {  	s10 =	rddreg [dreg:$0x5];
	s8 =	simm.s32 $0x0;
	[tilespmem:s9+$0x8430] =	vst v0  }
0x40: {  	[hbm4b:s10+s8] =	stream.linear.scatter [tilespmem:s28], [sflag:$0x3], $0x4000, $0x38;
	[tilespmem:$0x18400] =	vst v63  }
0x41: {  	s10 =	rddreg [dreg:$0x6]  }
0x42: {  	[hbm4b:s10+s8] =	stream.linear.scatter [tilespmem:s29], [sflag:$0x5], $0x4000, $0x38;
	[tilespmem:$0x18400] =	vst v63  }
0x43: {  	s10 =	simm.s32 $0x100  }
0x44: {  	[tilespmem:s24], [sflag:$0x1] =	stream.indirect.gather [hbm4b:s1+s23], $0x80, s10, s23, $0xb8;
	[tilespmem:$0x18400] =	vst v63  }
0x45: {  	_ =	swait.ge [sflag:s31], $0x4000  }
0x46: {  	[sflag:s31] =	ssyncset.done $0x0  }
0x47: {  	s8 =	simm.s32 $0x0;
	[sflag:s31] =	ssyncadd.s32 $0xFFFFC000  }
0x48: {  	v3 =	vld [tilespmem:s8+$0x4470]  }
0x49: {  	v4 =	vld [tilespmem:s8+$0x4400]  }
0x4a: {  	v5 =	vld [tilespmem:s8+$0x4440]  }
0x4b: {  	v2 =	vld [tilespmem:s8+$0x4410]  }
0x4c: {  	v0 =	vld [tilespmem:s8+$0x4450]  }
0x4d: {  	v1 =	vld [tilespmem:s8+$0x4420];
	[tilespmem:s8+$0x14430] =	vst v3  }
0x4e: {  	[tilespmem:s8+$0xC400] =	vst v4;
	v3 =	vld [tilespmem:s8+$0x4460]  }
0x4f: {  	s9 =	simm.s32 $0x80;
	s10 =	simm.s32 $0x400;
	[tilespmem:s8+$0x14400] =	vst v5;
	v4 =	vld [tilespmem:s8+$0x4430]  }
.LBB2_4:
0x50: {  	p0 =	sne.s32 s10, $0xFE00;
	v5 =	vld [tilespmem:s9+$0x4470];
	[tilespmem:s8+$0xC410] =	vst v2  }
0x51: {  	v6 =	vld [tilespmem:s9+$0x4400];
	[tilespmem:s8+$0x14410] =	vst v0  }
0x52: {  	v7 =	vld [tilespmem:s9+$0x4440];
	[tilespmem:s8+$0xC420] =	vst v1  }
.Ltmp1:
0x53: {  	v2 =	vld [tilespmem:s9+$0x4410];
	[tilespmem:s8+$0x14420] =	vst v3;
	(pc) =	sbr.rel @p0 .LBB2_4-.Ltmp1, $4  }
0x54: {  	v0 =	vld [tilespmem:s9+$0x4450];
	[tilespmem:s8+$0xC430] =	vst v4;
	s8 =	smov.u32 s9  }
0x55: {  	v1 =	vld [tilespmem:s8+$0x4420];
	[tilespmem:s8+$0x14430] =	vst v5  }
0x56: {  	[tilespmem:s8+$0xC400] =	vst v6;
	v3 =	vld [tilespmem:s8+$0x4460]  }
0x57: {  	s9 =	sshra.s32 s10, $0x2;
	s10 =	sadd.s32 $0x200, s10;
	[tilespmem:s8+$0x14400] =	vst v7;
	v4 =	vld [tilespmem:s8+$0x4430]  }
0x58: {  	v5 =	vld [tilespmem:s9+$0x4470];
	[tilespmem:s8+$0xC410] =	vst v2  }
0x59: {  	v2 =	vld [tilespmem:s9+$0x4400];
	[tilespmem:s8+$0x14410] =	vst v0  }
0x5a: {  	v0 =	vld [tilespmem:s9+$0x4440];
	[tilespmem:s8+$0xC420] =	vst v1  }
0x5b: {  	v1 =	vld [tilespmem:s9+$0x4410];
	[tilespmem:s8+$0x14420] =	vst v3  }
0x5c: {  	v3 =	vld [tilespmem:s9+$0x4450];
	[tilespmem:s8+$0xC430] =	vst v4  }
0x5d: {  	v4 =	vld [tilespmem:s9+$0x4420];
	[tilespmem:s9+$0x14430] =	vst v5  }
0x5e: {  	[tilespmem:s9+$0xC400] =	vst v2;
	v2 =	vld [tilespmem:s9+$0x4460]  }
0x5f: {  	[tilespmem:s9+$0x14400] =	vst v0;
	v0 =	vld [tilespmem:s9+$0x4430]  }
0x60: {  	[tilespmem:s9+$0xC410] =	vst v1  }
0x61: {  	[tilespmem:s9+$0x14410] =	vst v3  }
0x62: {  	[tilespmem:s9+$0xC420] =	vst v4  }
0x63: {  	[tilespmem:s9+$0x14420] =	vst v2  }
0x64: {  	s10 =	rddreg [dreg:$0x7];
	s8 =	simm.s32 $0x0;
	[tilespmem:s9+$0xC430] =	vst v0  }
0x65: {  	[hbm4b:s10+s8] =	stream.linear.scatter [tilespmem:s0], [sflag:$0x4], $0x4000, $0x38;
	[tilespmem:$0x18400] =	vst v63  }
0x66: {  	s10 =	rddreg [dreg:$0x8]  }
0x67: {  	[hbm4b:s10+s8] =	stream.linear.scatter [tilespmem:s2], [sflag:$0x6], $0x4000, $0x38;
	[tilespmem:$0x18400] =	vst v63  }
0x68: {  	s10 =	simm.s32 $0x180  }
0x69: {  	[tilespmem:s25], [sflag:$0x2] =	stream.indirect.gather [hbm4b:s1+s23], $0x80, s10, s23, $0xb8;
	[tilespmem:$0x18400] =	vst v63  }
0x6a: {  	_ =	swait.ge [sflag:s26], $0x4000  }
0x6b: {  	[sflag:s26] =	ssyncset.done $0x0  }
0x6c: {  	[sflag:s26] =	ssyncadd.s32 $0xFFFFC000  }
0x6d: {  	_ =	swait.ge [sflag:s30], $0x4000  }
0x6e: {  	[sflag:s30] =	ssyncset.done $0x0  }
0x6f: {  	[sflag:s30] =	ssyncadd.s32 $0xFFFFC000  }
0x70: {  	_ =	swait.ge [sflag:s4], $0x4000  }
0x71: {  	[sflag:s4] =	ssyncset.done $0x0  }
0x72: {  	s8 =	simm.s32 $0x0;
	[sflag:s4] =	ssyncadd.s32 $0xFFFFC000  }
0x73: {  	v3 =	vld [tilespmem:s8+$0x470]  }
0x74: {  	v4 =	vld [tilespmem:s8+$0x400]  }
0x75: {  	v5 =	vld [tilespmem:s8+$0x440]  }
0x76: {  	v2 =	vld [tilespmem:s8+$0x410]  }
0x77: {  	v0 =	vld [tilespmem:s8+$0x450]  }
0x78: {  	v1 =	vld [tilespmem:s8+$0x420];
	[tilespmem:s8+$0x10430] =	vst v3  }
0x79: {  	[tilespmem:s8+$0x8400] =	vst v4;
	v3 =	vld [tilespmem:s8+$0x460]  }
0x7a: {  	s9 =	simm.s32 $0x80;
	s10 =	simm.s32 $0x400;
	[tilespmem:s8+$0x10400] =	vst v5;
	v4 =	vld [tilespmem:s8+$0x430]  }
.LBB2_6:
0x7b: {  	p0 =	sne.s32 s10, $0xFE00;
	v5 =	vld [tilespmem:s9+$0x470];
	[tilespmem:s8+$0x8410] =	vst v2  }
0x7c: {  	v6 =	vld [tilespmem:s9+$0x400];
	[tilespmem:s8+$0x10410] =	vst v0  }
0x7d: {  	v7 =	vld [tilespmem:s9+$0x440];
	[tilespmem:s8+$0x8420] =	vst v1  }
.Ltmp2:
0x7e: {  	v2 =	vld [tilespmem:s9+$0x410];
	[tilespmem:s8+$0x10420] =	vst v3;
	(pc) =	sbr.rel @p0 .LBB2_6-.Ltmp2, $4  }
0x7f: {  	v0 =	vld [tilespmem:s9+$0x450];
	[tilespmem:s8+$0x8430] =	vst v4;
	s8 =	smov.u32 s9  }
0x80: {  	v1 =	vld [tilespmem:s8+$0x420];
	[tilespmem:s8+$0x10430] =	vst v5  }
0x81: {  	[tilespmem:s8+$0x8400] =	vst v6;
	v3 =	vld [tilespmem:s8+$0x460]  }
0x82: {  	s9 =	sshra.s32 s10, $0x2;
	s10 =	sadd.s32 $0x200, s10;
	[tilespmem:s8+$0x10400] =	vst v7;
	v4 =	vld [tilespmem:s8+$0x430]  }
0x83: {  	v5 =	vld [tilespmem:s9+$0x470];
	[tilespmem:s8+$0x8410] =	vst v2  }
0x84: {  	v2 =	vld [tilespmem:s9+$0x400];
	[tilespmem:s8+$0x10410] =	vst v0  }
0x85: {  	v0 =	vld [tilespmem:s9+$0x440];
	[tilespmem:s8+$0x8420] =	vst v1  }
0x86: {  	v1 =	vld [tilespmem:s9+$0x410];
	[tilespmem:s8+$0x10420] =	vst v3  }
0x87: {  	v3 =	vld [tilespmem:s9+$0x450];
	[tilespmem:s8+$0x8430] =	vst v4  }
0x88: {  	v4 =	vld [tilespmem:s9+$0x420];
	[tilespmem:s9+$0x10430] =	vst v5  }
0x89: {  	[tilespmem:s9+$0x8400] =	vst v2;
	v2 =	vld [tilespmem:s9+$0x460]  }
0x8a: {  	[tilespmem:s9+$0x10400] =	vst v0;
	v0 =	vld [tilespmem:s9+$0x430]  }
0x8b: {  	[tilespmem:s9+$0x8410] =	vst v1  }
0x8c: {  	[tilespmem:s9+$0x10410] =	vst v3  }
0x8d: {  	[tilespmem:s9+$0x8420] =	vst v4  }
0x8e: {  	[tilespmem:s9+$0x10420] =	vst v2  }
0x8f: {  	s10 =	rddreg [dreg:$0x9];
	s8 =	simm.s32 $0x0;
	[tilespmem:s9+$0x8430] =	vst v0  }
0x90: {  	[hbm4b:s10+s8] =	stream.linear.scatter [tilespmem:s28], [sflag:$0x3], $0x4000, $0x38;
	[tilespmem:$0x18400] =	vst v63  }
0x91: {  	s10 =	rddreg [dreg:$0xa]  }
0x92: {  	[hbm4b:s10+s8] =	stream.linear.scatter [tilespmem:s29], [sflag:$0x5], $0x4000, $0x38;
	[tilespmem:$0x18400] =	vst v63  }
0x93: {  	s10 =	simm.s32 $0x200  }
0x94: {  	[tilespmem:s24], [sflag:$0x1] =	stream.indirect.gather [hbm4b:s1+s23], $0x80, s10, s23, $0xb8;
	[tilespmem:$0x18400] =	vst v63  }
0x95: {  	_ =	swait.ge [sflag:s31], $0x4000  }
0x96: {  	[sflag:s31] =	ssyncset.done $0x0  }
0x97: {  	[sflag:s31] =	ssyncadd.s32 $0xFFFFC000  }
0x98: {  	_ =	swait.ge [sflag:s5], $0x4000  }
0x99: {  	[sflag:s5] =	ssyncset.done $0x0  }
0x9a: {  	[sflag:s5] =	ssyncadd.s32 $0xFFFFC000  }
0x9b: {  	_ =	swait.ge [sflag:s6], $0x4000  }
0x9c: {  	[sflag:s6] =	ssyncset.done $0x0  }
0x9d: {  	s8 =	simm.s32 $0x0;
	[sflag:s6] =	ssyncadd.s32 $0xFFFFC000  }
0x9e: {  	v3 =	vld [tilespmem:s8+$0x4470]  }
0x9f: {  	v4 =	vld [tilespmem:s8+$0x4400]  }
0xa0: {  	v5 =	vld [tilespmem:s8+$0x4440]  }
0xa1: {  	v2 =	vld [tilespmem:s8+$0x4410]  }
0xa2: {  	v0 =	vld [tilespmem:s8+$0x4450]  }
0xa3: {  	v1 =	vld [tilespmem:s8+$0x4420];
	[tilespmem:s8+$0x14430] =	vst v3  }
0xa4: {  	[tilespmem:s8+$0xC400] =	vst v4;
	v3 =	vld [tilespmem:s8+$0x4460]  }
0xa5: {  	s9 =	simm.s32 $0x80;
	s10 =	simm.s32 $0x400;
	[tilespmem:s8+$0x14400] =	vst v5;
	v4 =	vld [tilespmem:s8+$0x4430]  }
.LBB2_8:
0xa6: {  	p0 =	sne.s32 s10, $0xFE00;
	v5 =	vld [tilespmem:s9+$0x4470];
	[tilespmem:s8+$0xC410] =	vst v2  }
0xa7: {  	v6 =	vld [tilespmem:s9+$0x4400];
	[tilespmem:s8+$0x14410] =	vst v0  }
0xa8: {  	v7 =	vld [tilespmem:s9+$0x4440];
	[tilespmem:s8+$0xC420] =	vst v1  }
.Ltmp3:
0xa9: {  	v2 =	vld [tilespmem:s9+$0x4410];
	[tilespmem:s8+$0x14420] =	vst v3;
	(pc) =	sbr.rel @p0 .LBB2_8-.Ltmp3, $4  }
0xaa: {  	v0 =	vld [tilespmem:s9+$0x4450];
	[tilespmem:s8+$0xC430] =	vst v4;
	s8 =	smov.u32 s9  }
0xab: {  	v1 =	vld [tilespmem:s8+$0x4420];
	[tilespmem:s8+$0x14430] =	vst v5  }
0xac: {  	[tilespmem:s8+$0xC400] =	vst v6;
	v3 =	vld [tilespmem:s8+$0x4460]  }
0xad: {  	s9 =	sshra.s32 s10, $0x2;
	s10 =	sadd.s32 $0x200, s10;
	[tilespmem:s8+$0x14400] =	vst v7;
	v4 =	vld [tilespmem:s8+$0x4430]  }
0xae: {  	v5 =	vld [tilespmem:s9+$0x4470];
	[tilespmem:s8+$0xC410] =	vst v2  }
0xaf: {  	v2 =	vld [tilespmem:s9+$0x4400];
	[tilespmem:s8+$0x14410] =	vst v0  }
0xb0: {  	v0 =	vld [tilespmem:s9+$0x4440];
	[tilespmem:s8+$0xC420] =	vst v1  }
0xb1: {  	v1 =	vld [tilespmem:s9+$0x4410];
	[tilespmem:s8+$0x14420] =	vst v3  }
0xb2: {  	v3 =	vld [tilespmem:s9+$0x4450];
	[tilespmem:s8+$0xC430] =	vst v4  }
0xb3: {  	v4 =	vld [tilespmem:s9+$0x4420];
	[tilespmem:s9+$0x14430] =	vst v5  }
0xb4: {  	[tilespmem:s9+$0xC400] =	vst v2;
	v2 =	vld [tilespmem:s9+$0x4460]  }
0xb5: {  	[tilespmem:s9+$0x14400] =	vst v0;
	v0 =	vld [tilespmem:s9+$0x4430]  }
0xb6: {  	[tilespmem:s9+$0xC410] =	vst v1  }
0xb7: {  	[tilespmem:s9+$0x14410] =	vst v3  }
0xb8: {  	[tilespmem:s9+$0xC420] =	vst v4  }
0xb9: {  	[tilespmem:s9+$0x14420] =	vst v2  }
0xba: {  	[tilespmem:s9+$0xC430] =	vst v0;
	s9 =	simm.s32 $0x0  }
0xbb: {  	[hbm4b:s11+s9] =	stream.linear.scatter [tilespmem:s0], [sflag:$0x4], $0x4000, $0x38;
	[tilespmem:$0x18400] =	vst v63  }
0xbc: {  	_ = 	snop  }
0xbd: {  	[hbm4b:s12+s9] =	stream.linear.scatter [tilespmem:s2], [sflag:$0x6], $0x4000, $0x38;
	[tilespmem:$0x18400] =	vst v63  }
0xbe: {  	s10 =	simm.s32 $0x280  }
0xbf: {  	[tilespmem:s25], [sflag:$0x2] =	stream.indirect.gather [hbm4b:s1+s23], $0x80, s10, s23, $0xb8;
	[tilespmem:$0x18400] =	vst v63  }
0xc0: {  	_ =	swait.ge [sflag:s26], $0x4000  }
0xc1: {  	[sflag:s26] =	ssyncset.done $0x0  }
0xc2: {  	[sflag:s26] =	ssyncadd.s32 $0xFFFFC000  }
0xc3: {  	_ =	swait.ge [sflag:s30], $0x4000  }
0xc4: {  	[sflag:s30] =	ssyncset.done $0x0  }
0xc5: {  	[sflag:s30] =	ssyncadd.s32 $0xFFFFC000  }
0xc6: {  	_ =	swait.ge [sflag:s4], $0x4000  }
0xc7: {  	[sflag:s4] =	ssyncset.done $0x0  }
0xc8: {  	s8 =	simm.s32 $0x0;
	[sflag:s4] =	ssyncadd.s32 $0xFFFFC000  }
0xc9: {  	v3 =	vld [tilespmem:s8+$0x470]  }
0xca: {  	v4 =	vld [tilespmem:s8+$0x400]  }
0xcb: {  	v5 =	vld [tilespmem:s8+$0x440]  }
0xcc: {  	v2 =	vld [tilespmem:s8+$0x410]  }
0xcd: {  	v0 =	vld [tilespmem:s8+$0x450]  }
0xce: {  	v1 =	vld [tilespmem:s8+$0x420];
	[tilespmem:s8+$0x10430] =	vst v3  }
0xcf: {  	[tilespmem:s8+$0x8400] =	vst v4;
	v3 =	vld [tilespmem:s8+$0x460]  }
0xd0: {  	s9 =	simm.s32 $0x80;
	s10 =	simm.s32 $0x400;
	[tilespmem:s8+$0x10400] =	vst v5;
	v4 =	vld [tilespmem:s8+$0x430]  }
.LBB2_10:
0xd1: {  	p0 =	sne.s32 s10, $0xFE00;
	v5 =	vld [tilespmem:s9+$0x470];
	[tilespmem:s8+$0x8410] =	vst v2  }
0xd2: {  	v6 =	vld [tilespmem:s9+$0x400];
	[tilespmem:s8+$0x10410] =	vst v0  }
0xd3: {  	v7 =	vld [tilespmem:s9+$0x440];
	[tilespmem:s8+$0x8420] =	vst v1  }
.Ltmp4:
0xd4: {  	v2 =	vld [tilespmem:s9+$0x410];
	[tilespmem:s8+$0x10420] =	vst v3;
	(pc) =	sbr.rel @p0 .LBB2_10-.Ltmp4, $4  }
0xd5: {  	v0 =	vld [tilespmem:s9+$0x450];
	[tilespmem:s8+$0x8430] =	vst v4;
	s8 =	smov.u32 s9  }
0xd6: {  	v1 =	vld [tilespmem:s8+$0x420];
	[tilespmem:s8+$0x10430] =	vst v5  }
0xd7: {  	[tilespmem:s8+$0x8400] =	vst v6;
	v3 =	vld [tilespmem:s8+$0x460]  }
0xd8: {  	s9 =	sshra.s32 s10, $0x2;
	s10 =	sadd.s32 $0x200, s10;
	[tilespmem:s8+$0x10400] =	vst v7;
	v4 =	vld [tilespmem:s8+$0x430]  }
0xd9: {  	v5 =	vld [tilespmem:s9+$0x470];
	[tilespmem:s8+$0x8410] =	vst v2  }
0xda: {  	v2 =	vld [tilespmem:s9+$0x400];
	[tilespmem:s8+$0x10410] =	vst v0  }
0xdb: {  	v0 =	vld [tilespmem:s9+$0x440];
	[tilespmem:s8+$0x8420] =	vst v1  }
0xdc: {  	v1 =	vld [tilespmem:s9+$0x410];
	[tilespmem:s8+$0x10420] =	vst v3  }
0xdd: {  	v3 =	vld [tilespmem:s9+$0x450];
	[tilespmem:s8+$0x8430] =	vst v4  }
0xde: {  	v4 =	vld [tilespmem:s9+$0x420];
	[tilespmem:s9+$0x10430] =	vst v5  }
0xdf: {  	[tilespmem:s9+$0x8400] =	vst v2;
	v2 =	vld [tilespmem:s9+$0x460]  }
0xe0: {  	[tilespmem:s9+$0x10400] =	vst v0;
	v0 =	vld [tilespmem:s9+$0x430]  }
0xe1: {  	[tilespmem:s9+$0x8410] =	vst v1  }
0xe2: {  	[tilespmem:s9+$0x10410] =	vst v3  }
0xe3: {  	[tilespmem:s9+$0x8420] =	vst v4  }
0xe4: {  	[tilespmem:s9+$0x10420] =	vst v2  }
0xe5: {  	[tilespmem:s9+$0x8430] =	vst v0;
	s9 =	simm.s32 $0x0  }
0xe6: {  	[hbm4b:s13+s9] =	stream.linear.scatter [tilespmem:s28], [sflag:$0x3], $0x4000, $0x38;
	[tilespmem:$0x18400] =	vst v63  }
0xe7: {  	_ = 	snop  }
0xe8: {  	[hbm4b:s14+s9] =	stream.linear.scatter [tilespmem:s29], [sflag:$0x5], $0x4000, $0x38;
	[tilespmem:$0x18400] =	vst v63  }
0xe9: {  	s10 =	simm.s32 $0x300  }
0xea: {  	[tilespmem:s24], [sflag:$0x1] =	stream.indirect.gather [hbm4b:s1+s23], $0x80, s10, s23, $0xb8;
	[tilespmem:$0x18400] =	vst v63  }
0xeb: {  	_ =	swait.ge [sflag:s31], $0x4000  }
0xec: {  	[sflag:s31] =	ssyncset.done $0x0  }
0xed: {  	[sflag:s31] =	ssyncadd.s32 $0xFFFFC000  }
0xee: {  	_ =	swait.ge [sflag:s5], $0x4000  }
0xef: {  	[sflag:s5] =	ssyncset.done $0x0  }
0xf0: {  	[sflag:s5] =	ssyncadd.s32 $0xFFFFC000  }
0xf1: {  	_ =	swait.ge [sflag:s6], $0x4000  }
0xf2: {  	[sflag:s6] =	ssyncset.done $0x0  }
0xf3: {  	s8 =	simm.s32 $0x0;
	[sflag:s6] =	ssyncadd.s32 $0xFFFFC000  }
0xf4: {  	v3 =	vld [tilespmem:s8+$0x4470]  }
0xf5: {  	v4 =	vld [tilespmem:s8+$0x4400]  }
0xf6: {  	v5 =	vld [tilespmem:s8+$0x4440]  }
0xf7: {  	v2 =	vld [tilespmem:s8+$0x4410]  }
0xf8: {  	v0 =	vld [tilespmem:s8+$0x4450]  }
0xf9: {  	v1 =	vld [tilespmem:s8+$0x4420];
	[tilespmem:s8+$0x14430] =	vst v3  }
0xfa: {  	[tilespmem:s8+$0xC400] =	vst v4;
	v3 =	vld [tilespmem:s8+$0x4460]  }
0xfb: {  	s9 =	simm.s32 $0x80;
	s10 =	simm.s32 $0x400;
	[tilespmem:s8+$0x14400] =	vst v5;
	v4 =	vld [tilespmem:s8+$0x4430]  }
.LBB2_12:
0xfc: {  	p0 =	sne.s32 s10, $0xFE00;
	v5 =	vld [tilespmem:s9+$0x4470];
	[tilespmem:s8+$0xC410] =	vst v2  }
0xfd: {  	v6 =	vld [tilespmem:s9+$0x4400];
	[tilespmem:s8+$0x14410] =	vst v0  }
0xfe: {  	v7 =	vld [tilespmem:s9+$0x4440];
	[tilespmem:s8+$0xC420] =	vst v1  }
.Ltmp5:
0xff: {  	v2 =	vld [tilespmem:s9+$0x4410];
	[tilespmem:s8+$0x14420] =	vst v3;
	(pc) =	sbr.rel @p0 .LBB2_12-.Ltmp5, $4  }
0x100: {  	v0 =	vld [tilespmem:s9+$0x4450];
	[tilespmem:s8+$0xC430] =	vst v4;
	s8 =	smov.u32 s9  }
0x101: {  	v1 =	vld [tilespmem:s8+$0x4420];
	[tilespmem:s8+$0x14430] =	vst v5  }
0x102: {  	[tilespmem:s8+$0xC400] =	vst v6;
	v3 =	vld [tilespmem:s8+$0x4460]  }
0x103: {  	s9 =	sshra.s32 s10, $0x2;
	s10 =	sadd.s32 $0x200, s10;
	[tilespmem:s8+$0x14400] =	vst v7;
	v4 =	vld [tilespmem:s8+$0x4430]  }
0x104: {  	v5 =	vld [tilespmem:s9+$0x4470];
	[tilespmem:s8+$0xC410] =	vst v2  }
0x105: {  	v2 =	vld [tilespmem:s9+$0x4400];
	[tilespmem:s8+$0x14410] =	vst v0  }
0x106: {  	v0 =	vld [tilespmem:s9+$0x4440];
	[tilespmem:s8+$0xC420] =	vst v1  }
0x107: {  	v1 =	vld [tilespmem:s9+$0x4410];
	[tilespmem:s8+$0x14420] =	vst v3  }
0x108: {  	v3 =	vld [tilespmem:s9+$0x4450];
	[tilespmem:s8+$0xC430] =	vst v4  }
0x109: {  	v4 =	vld [tilespmem:s9+$0x4420];
	[tilespmem:s9+$0x14430] =	vst v5  }
0x10a: {  	[tilespmem:s9+$0xC400] =	vst v2;
	v2 =	vld [tilespmem:s9+$0x4460]  }
0x10b: {  	[tilespmem:s9+$0x14400] =	vst v0;
	v0 =	vld [tilespmem:s9+$0x4430]  }
0x10c: {  	[tilespmem:s9+$0xC410] =	vst v1  }
0x10d: {  	[tilespmem:s9+$0x14410] =	vst v3  }
0x10e: {  	[tilespmem:s9+$0xC420] =	vst v4  }
0x10f: {  	[tilespmem:s9+$0x14420] =	vst v2  }
0x110: {  	[tilespmem:s9+$0xC430] =	vst v0;
	s9 =	simm.s32 $0x0  }
0x111: {  	[hbm4b:s15+s9] =	stream.linear.scatter [tilespmem:s0], [sflag:$0x4], $0x4000, $0x38;
	[tilespmem:$0x18400] =	vst v63  }
0x112: {  	_ = 	snop  }
0x113: {  	[hbm4b:s16+s9] =	stream.linear.scatter [tilespmem:s2], [sflag:$0x6], $0x4000, $0x38;
	[tilespmem:$0x18400] =	vst v63  }
0x114: {  	s10 =	simm.s32 $0x380  }
0x115: {  	[tilespmem:s25], [sflag:$0x2] =	stream.indirect.gather [hbm4b:s1+s23], $0x80, s10, s23, $0xb8;
	[tilespmem:$0x18400] =	vst v63  }
0x116: {  	_ =	swait.ge [sflag:s26], $0x4000  }
0x117: {  	[sflag:s26] =	ssyncset.done $0x0  }
0x118: {  	[sflag:s26] =	ssyncadd.s32 $0xFFFFC000  }
0x119: {  	_ =	swait.ge [sflag:s30], $0x4000  }
0x11a: {  	[sflag:s30] =	ssyncset.done $0x0  }
0x11b: {  	[sflag:s30] =	ssyncadd.s32 $0xFFFFC000  }
0x11c: {  	_ =	swait.ge [sflag:s4], $0x4000  }
0x11d: {  	[sflag:s4] =	ssyncset.done $0x0  }
0x11e: {  	s8 =	simm.s32 $0x0;
	[sflag:s4] =	ssyncadd.s32 $0xFFFFC000  }
0x11f: {  	v3 =	vld [tilespmem:s8+$0x470]  }
0x120: {  	v4 =	vld [tilespmem:s8+$0x400]  }
0x121: {  	v5 =	vld [tilespmem:s8+$0x440]  }
0x122: {  	v2 =	vld [tilespmem:s8+$0x410]  }
0x123: {  	v0 =	vld [tilespmem:s8+$0x450]  }
0x124: {  	v1 =	vld [tilespmem:s8+$0x420];
	[tilespmem:s8+$0x10430] =	vst v3  }
0x125: {  	[tilespmem:s8+$0x8400] =	vst v4;
	v3 =	vld [tilespmem:s8+$0x460]  }
0x126: {  	s9 =	simm.s32 $0x80;
	s10 =	simm.s32 $0x400;
	[tilespmem:s8+$0x10400] =	vst v5;
	v4 =	vld [tilespmem:s8+$0x430]  }
.LBB2_14:
0x127: {  	p0 =	sne.s32 s10, $0xFE00;
	v5 =	vld [tilespmem:s9+$0x470];
	[tilespmem:s8+$0x8410] =	vst v2  }
0x128: {  	v6 =	vld [tilespmem:s9+$0x400];
	[tilespmem:s8+$0x10410] =	vst v0  }
0x129: {  	v7 =	vld [tilespmem:s9+$0x440];
	[tilespmem:s8+$0x8420] =	vst v1  }
.Ltmp6:
0x12a: {  	v2 =	vld [tilespmem:s9+$0x410];
	[tilespmem:s8+$0x10420] =	vst v3;
	(pc) =	sbr.rel @p0 .LBB2_14-.Ltmp6, $4  }
0x12b: {  	v0 =	vld [tilespmem:s9+$0x450];
	[tilespmem:s8+$0x8430] =	vst v4;
	s8 =	smov.u32 s9  }
0x12c: {  	v1 =	vld [tilespmem:s8+$0x420];
	[tilespmem:s8+$0x10430] =	vst v5  }
0x12d: {  	[tilespmem:s8+$0x8400] =	vst v6;
	v3 =	vld [tilespmem:s8+$0x460]  }
0x12e: {  	s9 =	sshra.s32 s10, $0x2;
	s10 =	sadd.s32 $0x200, s10;
	[tilespmem:s8+$0x10400] =	vst v7;
	v4 =	vld [tilespmem:s8+$0x430]  }
0x12f: {  	v5 =	vld [tilespmem:s9+$0x470];
	[tilespmem:s8+$0x8410] =	vst v2  }
0x130: {  	v2 =	vld [tilespmem:s9+$0x400];
	[tilespmem:s8+$0x10410] =	vst v0  }
0x131: {  	v0 =	vld [tilespmem:s9+$0x440];
	[tilespmem:s8+$0x8420] =	vst v1  }
0x132: {  	v1 =	vld [tilespmem:s9+$0x410];
	[tilespmem:s8+$0x10420] =	vst v3  }
0x133: {  	v3 =	vld [tilespmem:s9+$0x450];
	[tilespmem:s8+$0x8430] =	vst v4  }
0x134: {  	v4 =	vld [tilespmem:s9+$0x420];
	[tilespmem:s9+$0x10430] =	vst v5  }
0x135: {  	[tilespmem:s9+$0x8400] =	vst v2;
	v2 =	vld [tilespmem:s9+$0x460]  }
0x136: {  	[tilespmem:s9+$0x10400] =	vst v0;
	v0 =	vld [tilespmem:s9+$0x430]  }
0x137: {  	[tilespmem:s9+$0x8410] =	vst v1  }
0x138: {  	[tilespmem:s9+$0x10410] =	vst v3  }
0x139: {  	[tilespmem:s9+$0x8420] =	vst v4  }
0x13a: {  	[tilespmem:s9+$0x10420] =	vst v2  }
0x13b: {  	s10 =	simm.s32 $0x0;
	[tilespmem:s9+$0x8430] =	vst v0  }
0x13c: {  	[hbm4b:s17+s10] =	stream.linear.scatter [tilespmem:s28], [sflag:$0x3], $0x4000, $0x38;
	[tilespmem:$0x18400] =	vst v63  }
0x13d: {  	_ = 	snop  }
0x13e: {  	[hbm4b:s18+s10] =	stream.linear.scatter [tilespmem:s29], [sflag:$0x5], $0x4000, $0x38;
	[tilespmem:$0x18400] =	vst v63  }
0x13f: {  	_ =	swait.ge [sflag:s31], $0x4000  }
0x140: {  	[sflag:s31] =	ssyncset.done $0x0  }
0x141: {  	[sflag:s31] =	ssyncadd.s32 $0xFFFFC000  }
0x142: {  	_ =	swait.ge [sflag:s5], $0x4000  }
0x143: {  	[sflag:s5] =	ssyncset.done $0x0  }
0x144: {  	[sflag:s5] =	ssyncadd.s32 $0xFFFFC000  }
0x145: {  	_ =	swait.ge [sflag:s6], $0x4000  }
0x146: {  	[sflag:s6] =	ssyncset.done $0x0  }
0x147: {  	s8 =	simm.s32 $0x0;
	[sflag:s6] =	ssyncadd.s32 $0xFFFFC000  }
0x148: {  	v3 =	vld [tilespmem:s8+$0x4470]  }
0x149: {  	v4 =	vld [tilespmem:s8+$0x4400]  }
0x14a: {  	v5 =	vld [tilespmem:s8+$0x4440]  }
0x14b: {  	v2 =	vld [tilespmem:s8+$0x4410]  }
0x14c: {  	v0 =	vld [tilespmem:s8+$0x4450]  }
0x14d: {  	v1 =	vld [tilespmem:s8+$0x4420];
	[tilespmem:s8+$0x14430] =	vst v3  }
0x14e: {  	[tilespmem:s8+$0xC400] =	vst v4;
	v3 =	vld [tilespmem:s8+$0x4460]  }
0x14f: {  	s9 =	simm.s32 $0x80;
	s10 =	simm.s32 $0x400;
	[tilespmem:s8+$0x14400] =	vst v5;
	v4 =	vld [tilespmem:s8+$0x4430]  }
.LBB2_16:
0x150: {  	p0 =	sne.s32 s10, $0xFE00;
	v5 =	vld [tilespmem:s9+$0x4470];
	[tilespmem:s8+$0xC410] =	vst v2  }
0x151: {  	v6 =	vld [tilespmem:s9+$0x4400];
	[tilespmem:s8+$0x14410] =	vst v0  }
0x152: {  	v7 =	vld [tilespmem:s9+$0x4440];
	[tilespmem:s8+$0xC420] =	vst v1  }
.Ltmp7:
0x153: {  	v2 =	vld [tilespmem:s9+$0x4410];
	[tilespmem:s8+$0x14420] =	vst v3;
	(pc) =	sbr.rel @p0 .LBB2_16-.Ltmp7, $4  }
0x154: {  	v0 =	vld [tilespmem:s9+$0x4450];
	[tilespmem:s8+$0xC430] =	vst v4;
	s8 =	smov.u32 s9  }
0x155: {  	v1 =	vld [tilespmem:s8+$0x4420];
	[tilespmem:s8+$0x14430] =	vst v5  }
0x156: {  	[tilespmem:s8+$0xC400] =	vst v6;
	v3 =	vld [tilespmem:s8+$0x4460]  }
0x157: {  	s9 =	sshra.s32 s10, $0x2;
	s10 =	sadd.s32 $0x200, s10;
	[tilespmem:s8+$0x14400] =	vst v7;
	v4 =	vld [tilespmem:s8+$0x4430]  }
0x158: {  	v5 =	vld [tilespmem:s9+$0x4470];
	[tilespmem:s8+$0xC410] =	vst v2  }
0x159: {  	v2 =	vld [tilespmem:s9+$0x4400];
	[tilespmem:s8+$0x14410] =	vst v0  }
0x15a: {  	v0 =	vld [tilespmem:s9+$0x4440];
	[tilespmem:s8+$0xC420] =	vst v1  }
0x15b: {  	v1 =	vld [tilespmem:s9+$0x4410];
	[tilespmem:s8+$0x14420] =	vst v3  }
0x15c: {  	v3 =	vld [tilespmem:s9+$0x4450];
	[tilespmem:s8+$0xC430] =	vst v4  }
0x15d: {  	v4 =	vld [tilespmem:s9+$0x4420];
	[tilespmem:s9+$0x14430] =	vst v5  }
0x15e: {  	v62 =	vld [tilespmem:s9+$0x4460];
	[tilespmem:s9+$0xC400] =	vst v2  }
0x15f: {  	v63 =	vld [tilespmem:s9+$0x4430];
	[tilespmem:s9+$0x14400] =	vst v0  }
0x160: {  	[tilespmem:s9+$0xC410] =	vst v1  }
0x161: {  	[tilespmem:s9+$0x14410] =	vst v3  }
0x162: {  	[tilespmem:s9+$0xC420] =	vst v4  }
0x163: {  	[tilespmem:s9+$0x14420] =	vst v62  }
0x164: {  	[tilespmem:s9+$0xC430] =	vst v63  }
0x165: {  	[hbm4b:s19+s3] =	stream.linear.scatter [tilespmem:s0], [sflag:$0x4], $0x4000, $0x38;
	[tilespmem:$0x18400] =	vst v63  }
0x166: {  	_ = 	snop  }
0x167: {  	[hbm4b:s20+s3] =	stream.linear.scatter [tilespmem:s2], [sflag:$0x6], $0x4000, $0x38;
	[tilespmem:$0x18400] =	vst v63  }
0x168: {  	_ =	swait.ge [sflag:s30], $0x4000  }
0x169: {  	[sflag:s30] =	ssyncset.done $0x0  }
0x16a: {  	[sflag:s30] =	ssyncadd.s32 $0xFFFFC000  }
0x16b: {  	_ =	swait.ge [sflag:s4], $0x4000  }
0x16c: {  	[sflag:s4] =	ssyncset.done $0x0  }
0x16d: {  	s7 =	sadd.s32 $0x1, s7;
	[sflag:s4] =	ssyncadd.s32 $0xFFFFC000  }
0x16e: {  	p0 =	sne.s32 s7, s21;
	_ =	swait.ge [sflag:s5], $0x4000  }
.Ltmp8:
0x16f: {  	[sflag:s5] =	ssyncset.done $0x0;
	(pc) =	sbr.rel @p0 .LBB2_1-.Ltmp8, $4  }
0x170: {  	[sflag:s5] =	ssyncadd.s32 $0xFFFFC000  }
0x171: {  	_ =	swait.ge [sflag:s6], $0x4000  }
0x172: {  	[sflag:s6] =	ssyncset.done $0x0  }
0x173: {  	[sflag:s6] =	ssyncadd.s32 $0xFFFFC000  }
0x174: {  	_ =	sfence.sel $0x180000  }
0x175: {  	[bflag:$0x0] =	sbarrier.arrive $0xFFFF  }
0x176: {  	_ =	strace $0x90000047  }
0x177: {  	s0 =	stileid.u32;
	[bflag:$0x2] =	sbarrier.arrive $0xFFFF  }
0x178: {  	p0 =	sne.s32 s0, $0x0;
	s0 =	rddreg [dreg:$0x3]  }
0x179: {  	s0 =	sadd.s32 @!p0 $0x100000, s0  }
0x17a: {  	[sflag:s0] =	ssyncadd.tile.s32 @!p0 $0x1;
	_ =	shalt  }
.Lfunc_end2:
_tile_overlayer_lowered:
.L_overlay_start_2:
0x17b: {  	(tag) =	ssettag $0x2  }
0x17c: {  	s0 =	rddreg [dreg:$0x0];
	s2 =	stileid.u32  }
0x17d: {  	s1 =	rddreg [dreg:$0x1];
	p0 =	sne.s32 s2, $0x0  }
0x17e: {  	s3 =	rddreg [dreg:$0x2];
	[bflag:$0x3] =	sbarrier.arrive $0xFFFF;
	s2 =	simm.s32 @!p0 $0x1C07  }
0x17f: {  	[timem:s3], [sflag:s2] =	dma.local @!p0 [hbm:s0], s1  }
0x180: {  	s0 =	simm.s32 @!p0 $0x7  }
0x181: {  	_ =	swait.ge @!p0 [sflag:s0], s1  }
0x182: {  	s1 =	ssub.s32 @!p0 $0x0, s1;
	[sflag:s0] =	ssyncset.done @!p0 $0x0  }
0x183: {  	[sflag:s0] =	ssyncadd.s32 @!p0 s1  }
0x184: {  	[bflag:$0x3] =	sbarrier.arrive $0xFFFF  }
0x185: {  	_ =	shalt  }

</sc_bundles>
